<compile_context>
chip_gen: v7x
topology: tpu7x:2x2x1
jax: 0.10.2.dev20260603
libtpu: 0.0.44.dev20260713+nightly
codegen_flags: <defaults>
</compile_context>

<pallas_src>
import functools
import jax
import jax.numpy as jnp
from jax import lax
from jax.experimental import pallas as pl
from jax.experimental.pallas import tpu as pltpu
from jax.experimental.pallas import tpu_sc as plsc

CROP = 5
SIZE = 64
OFFSET = 3.0 / 2.0 / (SIZE - 1)
B = 4
N = 1000
C = 256

NW = 32
GCH = 5
NCH = (B * N) // GCH
TPW = NCH // NW
KR = GCH * CROP * CROP
PK = 128
OR8 = GCH * CROP * 8
NPIX = B * SIZE * SIZE


def _side_weights(c):
    ar5i = jnp.arange(CROP, dtype=jnp.int32)
    nbn = c / (SIZE - 1)
    c1 = nbn - OFFSET
    c2 = nbn + OFFSET
    scale = (c2 - c1) * (SIZE - 1) / (CROP - 1)
    inc = c1[:, None] * (SIZE - 1) + ar5i.astype(jnp.float32)[None, :] * scale[:, None]
    valid = ((inc >= 0.0) & (inc <= SIZE - 1.0)).astype(jnp.float32)
    top = jnp.floor(inc)
    lerp = inc - top
    i_t = jnp.clip(top, 0, SIZE - 1).astype(jnp.int32)
    i_b = jnp.clip(jnp.ceil(inc), 0, SIZE - 1).astype(jnp.int32)
    base = jnp.clip(jnp.floor(c1 * (SIZE - 1)), 0, SIZE - CROP).astype(jnp.int32)
    p_t = i_t - base[:, None]
    p_b = i_b - base[:, None]
    w = ((1.0 - lerp)[:, :, None] * (p_t[:, :, None] == ar5i[None, None, :]) +
         lerp[:, :, None] * (p_b[:, :, None] == ar5i[None, None, :]))
    return base, w * valid[:, :, None]



YB = 8


def _repack_body(src_ref, tab_ref):
    v = src_ref[0]
    tab_ref[0] = v[:, :, :128].reshape(YB * SIZE, 128)
    tab_ref[1] = v[:, :, 128:].reshape(YB * SIZE, 128)


def _repack(source):
    return pl.pallas_call(
        _repack_body,
        grid=(B * SIZE // YB,),
        in_specs=[pl.BlockSpec((1, YB, SIZE, C), lambda s: (s // (SIZE // YB), s % (SIZE // YB), 0, 0))],
        out_specs=pl.BlockSpec((2, YB * SIZE, 128), lambda s: (0, s, 0)),
        out_shape=jax.ShapeDtypeStruct((2, NPIX, 128), jnp.float32),
    )(source)



def _sc_gather_body(table, widxw, patches, idx_v, rows_v, gsem, wsem):
    cid = lax.axis_index("c")
    sid = lax.axis_index("s")
    wid = sid * 2 + cid

    pltpu.sync_copy(widxw.at[wid // 8, wid % 8], idx_v)

    def fire_gather(t, buf):
        pltpu.async_copy(table.at[idx_v.at[pl.ds(t * (2 * PK), PK)]],
                         rows_v.at[buf, 0], gsem)
        pltpu.async_copy(table.at[idx_v.at[pl.ds(t * (2 * PK) + PK, PK)]],
                         rows_v.at[buf, 1], gsem)

    fire_gather(0, 0)

    def chunk(t, carry):
        ch = wid + t * NW
        b = t % 2
        nb = (t + 1) % 2
        pltpu.make_async_copy(table.at[idx_v.at[pl.ds(0, PK)]], rows_v.at[b, 0], gsem).wait()
        pltpu.make_async_copy(table.at[idx_v.at[pl.ds(0, PK)]], rows_v.at[b, 1], gsem).wait()

        @pl.when(t >= 1)
        def _():
            pltpu.make_async_copy(rows_v.at[nb, 0], patches.at[0], wsem).wait()
            pltpu.make_async_copy(rows_v.at[nb, 1], patches.at[1], wsem).wait()

        @pl.when(t + 1 < TPW)
        def _():
            fire_gather(t + 1, nb)

        pltpu.async_copy(rows_v.at[b, 0], patches.at[2 * ch], wsem)
        pltpu.async_copy(rows_v.at[b, 1], patches.at[2 * ch + 1], wsem)
        return carry

    lax.fori_loop(0, TPW, chunk, 0)
    lb = (TPW - 1) % 2
    pltpu.make_async_copy(rows_v.at[lb, 0], patches.at[0], wsem).wait()
    pltpu.make_async_copy(rows_v.at[lb, 1], patches.at[1], wsem).wait()


_sc_gather = functools.partial(
    pl.kernel,
    mesh=plsc.VectorSubcoreMesh(core_axis_name="c", subcore_axis_name="s"),
    out_type=jax.ShapeDtypeStruct((2 * NCH, PK, 128), jnp.float32),
    scratch_types=[
        pltpu.VMEM((TPW * 2 * PK,), jnp.int32),
        pltpu.VMEM((2, 2, PK, 128), jnp.float32),
        pltpu.SemaphoreType.DMA,
        pltpu.SemaphoreType.DMA,
    ],
)(_sc_gather_body)



EC = 25


def _epi_body(pat_ref, m_ref, out_ref):
    for c in range(EC):
        patch = jnp.concatenate(
            [pat_ref[2 * c, :KR, :], pat_ref[2 * c + 1, :KR, :]], axis=1)
        res = jax.lax.dot(m_ref[c], patch.astype(jnp.bfloat16),
                          preferred_element_type=jnp.float32)
        res4 = res.reshape(GCH, CROP, 8, C)
        out_ref[0, c * GCH:(c + 1) * GCH] = res4[:, :, :CROP, :]


def _epilogue(patches, m5):
    nbs = N // (EC * GCH)
    return pl.pallas_call(
        _epi_body,
        grid=(NCH // EC,),
        in_specs=[
            pl.BlockSpec((2 * EC, PK, 128), lambda s: (s, 0, 0)),
            pl.BlockSpec((EC, OR8, KR), lambda s: (s, 0, 0)),
        ],
        out_specs=pl.BlockSpec((1, EC * GCH, CROP, CROP, C),
                               lambda s: (s // nbs, s % nbs, 0, 0, 0)),
        out_shape=jax.ShapeDtypeStruct((B, N, CROP, CROP, C), jnp.float32),
    )(patches, m5)


@jax.jit
def kernel(boxes, source):
    cy = boxes[..., 0].reshape(B * N)
    cx = boxes[..., 1].reshape(B * N)
    ybase, wy = _side_weights(cy)
    xbase, wx = _side_weights(cx)
    img = jnp.repeat(jnp.arange(B, dtype=jnp.int32), N)
    row0 = (img * SIZE + ybase) * SIZE + xbase
    ar25 = jnp.arange(CROP * CROP, dtype=jnp.int32)
    offs = (ar25 // CROP) * SIZE + ar25 % CROP
    widx = row0[:, None] + offs[None, :]
    wflat = widx.reshape(NCH, KR)
    widx_p = jnp.concatenate(
        [wflat, jnp.zeros((NCH, PK - KR), jnp.int32)], axis=1)
    a0 = widx_p.reshape(TPW, NW, PK)
    aw = jnp.stack([a0, a0 + NPIX], axis=2)
    widxw = aw.transpose(1, 0, 2, 3).reshape(NW // 8, 8, TPW * 2 * PK)

    wy5 = wy.reshape(NCH, GCH, CROP, CROP)
    wxp = jnp.pad(wx, ((0, 0), (0, 3), (0, 0))).reshape(NCH, GCH, 8, CROP)
    m5 = jnp.einsum('cbip,cbJq,ba->cbiJapq', wy5, wxp,
                    jnp.eye(GCH, dtype=jnp.float32)).reshape(NCH, OR8, KR).astype(jnp.bfloat16)

    table = _repack(source)
    patches = _sc_gather(table.reshape(2 * NPIX, 128), widxw)
    return _epilogue(patches, m5)

# --- scband reference (transcript-rebuilt; emitter-appended) ---
"""Pipeline reference for scband-get-bboxes-47236050321680 (READ-ONLY COPY).

The authoritative reference and input builder live on the scoring server;
editing this copy changes nothing except your own understanding.
"""

import jax, jax.numpy as jnp
import numpy as np

CROP = 5
SIZE = 64
OFFSET = 3.0 / 2.0 / (SIZE - 1)
B = 4
N = 1000
C = 256


def setup_inputs(seed: int = 0) -> dict:
    key = jax.random.key(seed)
    k1, k2 = jax.random.split(key)
    # boxes are center (y, x) pixel coordinates in [0, SIZE-1]
    boxes = jax.random.uniform(k1, (B, N, 2), dtype=jnp.float32) * (SIZE - 1)
    source = jax.random.normal(k2, (B, SIZE, SIZE, C), dtype=jnp.float32)
    return {"boxes": boxes, "source": source}


def _crop_and_resize(source, boxes4, box_indices, ch, cw):
    # Faithful reimplementation of tf.image.crop_and_resize (bilinear,
    # extrapolation_value=0) for crop size > 1.
    Himg = source.shape[1]
    Wimg = source.shape[2]
    y1 = boxes4[:, 0]
    x1 = boxes4[:, 1]
    y2 = boxes4[:, 2]
    x2 = boxes4[:, 3]
    i = jnp.arange(ch, dtype=jnp.float32)
    j = jnp.arange(cw, dtype=jnp.float32)
    h_scale = (y2 - y1) * (Himg - 1) / (ch - 1)
    w_scale = (x2 - x1) * (Wimg - 1) / (cw - 1)
    in_y = y1[:, None] * (Himg - 1) + i[None, :] * h_scale[:, None]  # [Nb, ch]
    in_x = x1[:, None] * (Wimg - 1) + j[None, :] * w_scale[:, None]  # [Nb, cw]
    valid_y = (in_y >= 0.0) & (in_y <= Himg - 1.0)
    valid_x = (in_x >= 0.0) & (in_x <= Wimg - 1.0)
    top_y = jnp.floor(in_y)
    bot_y = jnp.ceil(in_y)
    left_x = jnp.floor(in_x)
    right_x = jnp.ceil(in_x)
    y_lerp = in_y - top_y
    x_lerp = in_x - left_x
    ty = jnp.clip(top_y, 0, Himg - 1).astype(jnp.int32)
    by = jnp.clip(bot_y, 0, Himg - 1).astype(jnp.int32)
    lx = jnp.clip(left_x, 0, Wimg - 1).astype(jnp.int32)
    rx = jnp.clip(right_x, 0, Wimg - 1).astype(jnp.int32)
    b = box_indices[:, None, None]
    tl = source[b, ty[:, :, None], lx[:, None, :], :]  # [Nb, ch, cw, C]
    tr = source[b, ty[:, :, None], rx[:, None, :], :]
    bl = source[b, by[:, :, None], lx[:, None, :], :]
    br = source[b, by[:, :, None], rx[:, None, :], :]
    top = tl + (tr - tl) * x_lerp[:, None, :, None]
    bot = bl + (br - bl) * x_lerp[:, None, :, None]
    out = top + (bot - top) * y_lerp[:, :, None, None]
    mask = (valid_y[:, :, None] & valid_x[:, None, :])[:, :, :, None]
    return jnp.where(mask, out, 0.0)


def reference(boxes, source):
    Bv = boxes.shape[0]
    Nv = boxes.shape[1]
    Cv = source.shape[-1]
    nb = boxes / (SIZE - 1)
    b4 = jnp.concatenate([nb - OFFSET, nb + OFFSET], axis=-1)  # [B, N, 4] = (y1,x1,y2,x2)
    b4 = b4.reshape(-1, 4)
    box_indices = jnp.repeat(jnp.arange(Bv, dtype=jnp.int32), Nv)
    feats = _crop_and_resize(source, b4, box_indices, CROP, CROP)
    return feats.reshape(Bv, Nv, CROP, CROP, Cv)

if __name__ == "__main__":
    import jax
    _d = setup_inputs()
    print(jax.jit(kernel)(*tuple(_d.values())))

</pallas_src>

<mosaic_0001>
#map = affine_map<(d0, d1) -> (0, 0)>
#map1 = affine_map<(d0, d1) -> (0, 0, 0)>
module attributes {stable_mosaic.version = 14 : i64} {
  func.func @_sc_gather_body(%arg0: i32, %arg1: i32, %arg2: memref<32768x128xf32, #tpu.memory_space<hbm>>, %arg3: memref<4x8x6400xi32, #tpu.memory_space<hbm>>, %arg4: memref<1600x128x128xf32, #tpu.memory_space<hbm>>, %arg5: memref<6400xi32, #tpu.memory_space<vmem>>, %arg6: memref<2x2x128x128xf32, #tpu.memory_space<vmem>>, %arg7: memref<!tpu.dma_semaphore, #tpu.memory_space<semaphore_mem>>, %arg8: memref<!tpu.dma_semaphore, #tpu.memory_space<semaphore_mem>>) attributes {dimension_semantics = [#tpu.dimension_semantics<core_parallel>, #tpu.dimension_semantics<subcore_parallel>], iteration_bounds = array<i64: 2, 16>, scalar_prefetch = 0 : i64, scratch_operands = 4 : i64, tpu.core_type = #tpu.core_type<sc_vector_subcore>, window_params = [{transform_indices = #map}, {transform_indices = #map1}, {transform_indices = #map1}]} {
    %mul3A = arith.constant 2 : i32
    %mul3A_0 = arith.muli %arg1, %mul3A : i32
    %add3A = arith.addi %mul3A_0, %arg0 : i32
    %jit3A = arith.constant 8 : i32
    %div3A = arith.divsi %add3A, %jit3A : i32
    %sign3A = arith.constant 0 : i32
    %sign3A_1 = arith.cmpi sgt, %add3A, %sign3A : i32
    %sign3A_2 = arith.extui %sign3A_1 : i1 to i32
    %sign3A_3 = arith.constant 0 : i32
    %sign3A_4 = arith.cmpi slt, %add3A, %sign3A_3 : i32
    %sign3A_5 = arith.extui %sign3A_4 : i1 to i32
    %sign3A_6 = arith.subi %sign3A_2, %sign3A_5 : i32
    %sign3A_7 = arith.constant 0 : i32
    %sign3A_8 = arith.cmpi sgt, %jit3A, %sign3A_7 : i32
    %sign3A_9 = arith.extui %sign3A_8 : i1 to i32
    %sign3A_10 = arith.constant 0 : i32
    %sign3A_11 = arith.cmpi slt, %jit3A, %sign3A_10 : i32
    %sign3A_12 = arith.extui %sign3A_11 : i1 to i32
    %sign3A_13 = arith.subi %sign3A_9, %sign3A_12 : i32
    %ne3A = arith.cmpi ne, %sign3A_6, %sign3A_13 : i32
    %rem3A = arith.remsi %add3A, %jit3A : i32
    %ne3A_14 = arith.constant 0 : i32
    %ne3A_15 = arith.cmpi ne, %rem3A, %ne3A_14 : i32
    %and3A = arith.andi %ne3A, %ne3A_15 : i1
    %sub3A = arith.constant 1 : i32
    %sub3A_16 = arith.subi %div3A, %sub3A : i32
    %select_n3A = arith.select %and3A, %sub3A_16, %div3A : i32
    %jit3A_17 = arith.constant 8 : i32
    %eq3A = arith.constant 0 : i32
    %eq3A_18 = arith.cmpi eq, %jit3A_17, %eq3A : i32
    %jit3A_19 = arith.constant 1 : i32
    %select_n3A_20 = arith.select %eq3A_18, %jit3A_19, %jit3A_17 : i32
    %rem3A_21 = arith.remsi %add3A, %select_n3A_20 : i32
    %ne3A_22 = arith.constant 0 : i32
    %ne3A_23 = arith.cmpi ne, %rem3A_21, %ne3A_22 : i32
    %lt3A = arith.constant 0 : i32
    %lt3A_24 = arith.cmpi slt, %rem3A_21, %lt3A : i32
    %lt3A_25 = arith.constant 0 : i32
    %lt3A_26 = arith.cmpi slt, %select_n3A_20, %lt3A_25 : i32
    %ne3A_27 = arith.xori %lt3A_24, %lt3A_26 : i1
    %and3A_28 = arith.andi %ne3A_27, %ne3A_23 : i1
    %add3A_29 = arith.addi %rem3A_21, %select_n3A_20 : i32
    %select_n3A_30 = arith.select %and3A_28, %add3A_29, %rem3A_21 : i32
    "tpu.region"() ({
      %run_scoped3A = tpu.sem_alloc : memref<!tpu.dma_semaphore, #tpu.memory_space<semaphore_mem>>
      %dma_start3A_94 = arith.constant 0 : i32
      %dma_start3A_95 = tpu.memref_slice %arg3[%select_n3A, %select_n3A_30, %dma_start3A_94] : memref<4x8x6400xi32, #tpu.memory_space<hbm>> -> memref<1x1x6400xi32, #tpu.memory_space<hbm>>
      %dma_start3A_96 = tpu.memref_squeeze %dma_start3A_95 : memref<1x1x6400xi32, #tpu.memory_space<hbm>> -> memref<6400xi32, #tpu.memory_space<hbm>>
      %dma_start3A_97 = arith.constant 0 : i32
      %dma_start3A_98 = tpu.memref_slice %arg3[%select_n3A, %select_n3A_30, %dma_start3A_97] : memref<4x8x6400xi32, #tpu.memory_space<hbm>> -> memref<1x1x6400xi32, #tpu.memory_space<hbm>>
      %dma_start3A_99 = tpu.memref_squeeze %dma_start3A_98 : memref<1x1x6400xi32, #tpu.memory_space<hbm>> -> memref<6400xi32, #tpu.memory_space<hbm>>
      tpu.enqueue_dma source(%dma_start3A_99 : memref<6400xi32, #tpu.memory_space<hbm>>) target(%arg5 : memref<6400xi32, #tpu.memory_space<vmem>>) target_semaphore(%run_scoped3A : memref<!tpu.dma_semaphore, #tpu.memory_space<semaphore_mem>>)
      %dma_wait3A_100 = arith.constant 0 : i32
      %dma_wait3A_101 = tpu.memref_slice %arg3[%select_n3A, %select_n3A_30, %dma_wait3A_100] : memref<4x8x6400xi32, #tpu.memory_space<hbm>> -> memref<1x1x6400xi32, #tpu.memory_space<hbm>>
      %dma_wait3A_102 = tpu.memref_squeeze %dma_wait3A_101 : memref<1x1x6400xi32, #tpu.memory_space<hbm>> -> memref<6400xi32, #tpu.memory_space<hbm>>
      %dma_wait3A_103 = arith.constant 0 : i32
      %dma_wait3A_104 = tpu.memref_slice %arg3[%select_n3A, %select_n3A_30, %dma_wait3A_103] : memref<4x8x6400xi32, #tpu.memory_space<hbm>> -> memref<1x1x6400xi32, #tpu.memory_space<hbm>>
      %dma_wait3A_105 = tpu.memref_squeeze %dma_wait3A_104 : memref<1x1x6400xi32, #tpu.memory_space<hbm>> -> memref<6400xi32, #tpu.memory_space<hbm>>
      tpu.wait_dma2 semaphore(%run_scoped3A : memref<!tpu.dma_semaphore, #tpu.memory_space<semaphore_mem>>) src(%dma_wait3A_105 : memref<6400xi32, #tpu.memory_space<hbm>>) dst(%arg5 : memref<6400xi32, #tpu.memory_space<vmem>>)
      tpu.yield
    }) : () -> ()
    %dma_start3A = arith.constant 0 : i32
    %dma_start3A_31 = arith.constant 0 : i32
    %dma_start3A_32 = arith.constant 0 : i32
    %dma_start3A_33 = arith.constant 0 : i32
    %dma_start3A_34 = tpu.memref_slice %arg6[%dma_start3A, %dma_start3A_31, %dma_start3A_32, %dma_start3A_33] : memref<2x2x128x128xf32, #tpu.memory_space<vmem>> -> memref<1x1x128x128xf32, #tpu.memory_space<vmem>>
    %dma_start3A_35 = tpu.memref_squeeze %dma_start3A_34 : memref<1x1x128x128xf32, #tpu.memory_space<vmem>> -> memref<128x128xf32, #tpu.memory_space<vmem>>
    %dma_start3A_36 = arith.constant 0 : i32
    %dma_start3A_37 = tpu.memref_slice %arg5[%dma_start3A_36] : memref<6400xi32, #tpu.memory_space<vmem>> -> memref<128xi32, #tpu.memory_space<vmem>>
    %dma_start3A_38 = arith.constant 0 : i32
    %dma_start3A_39 = arith.constant 0 : i32
    %dma_start3A_40 = tpu.memref_slice %arg2[%dma_start3A_38, %dma_start3A_39] : memref<32768x128xf32, #tpu.memory_space<hbm>> -> memref<32768x128xf32, #tpu.memory_space<hbm>>
    tpu.enqueue_indirect_dma source(%dma_start3A_40 : memref<32768x128xf32, #tpu.memory_space<hbm>>) target(%dma_start3A_35 : memref<128x128xf32, #tpu.memory_space<vmem>>) offsets(%dma_start3A_37 : memref<128xi32, #tpu.memory_space<vmem>>) semaphore(%arg7 : memref<!tpu.dma_semaphore, #tpu.memory_space<semaphore_mem>>)
    %dma_start3A_41 = arith.constant 0 : i32
    %dma_start3A_42 = arith.constant 1 : i32
    %dma_start3A_43 = arith.constant 0 : i32
    %dma_start3A_44 = arith.constant 0 : i32
    %dma_start3A_45 = tpu.memref_slice %arg6[%dma_start3A_41, %dma_start3A_42, %dma_start3A_43, %dma_start3A_44] : memref<2x2x128x128xf32, #tpu.memory_space<vmem>> -> memref<1x1x128x128xf32, #tpu.memory_space<vmem>>
    %dma_start3A_46 = tpu.memref_squeeze %dma_start3A_45 : memref<1x1x128x128xf32, #tpu.memory_space<vmem>> -> memref<128x128xf32, #tpu.memory_space<vmem>>
    %dma_start3A_47 = arith.constant 128 : i32
    %dma_start3A_48 = tpu.memref_slice %arg5[%dma_start3A_47] : memref<6400xi32, #tpu.memory_space<vmem>> -> memref<128xi32, #tpu.memory_space<vmem>>
    %dma_start3A_49 = arith.constant 0 : i32
    %dma_start3A_50 = arith.constant 0 : i32
    %dma_start3A_51 = tpu.memref_slice %arg2[%dma_start3A_49, %dma_start3A_50] : memref<32768x128xf32, #tpu.memory_space<hbm>> -> memref<32768x128xf32, #tpu.memory_space<hbm>>
    tpu.enqueue_indirect_dma source(%dma_start3A_51 : memref<32768x128xf32, #tpu.memory_space<hbm>>) target(%dma_start3A_46 : memref<128x128xf32, #tpu.memory_space<vmem>>) offsets(%dma_start3A_48 : memref<128xi32, #tpu.memory_space<vmem>>) semaphore(%arg7 : memref<!tpu.dma_semaphore, #tpu.memory_space<semaphore_mem>>)
    %scan3A = arith.constant 0 : i32
    %scan3A_52 = arith.constant 0 : i32
    %scan3A_53 = arith.constant 25 : i32
    %scan3A_54 = arith.addi %scan3A_52, %scan3A_53 : i32
    %scan3A_55 = arith.constant 1 : i32
    scf.for %scan3A_94 = %scan3A_52 to %scan3A_54 step %scan3A_55  : i32 {
      %mul3A_95 = arith.constant 32 : i32
      %mul3A_96 = arith.muli %scan3A_94, %mul3A_95 : i32
      %add3A_97 = arith.addi %add3A, %mul3A_96 : i32
      %jit3A_98 = arith.constant 2 : i32
      %eq3A_99 = arith.constant 0 : i32
      %eq3A_100 = arith.cmpi eq, %jit3A_98, %eq3A_99 : i32
      %jit3A_101 = arith.constant 1 : i32
      %select_n3A_102 = arith.select %eq3A_100, %jit3A_101, %jit3A_98 : i32
      %rem3A_103 = arith.remsi %scan3A_94, %select_n3A_102 : i32
      %ne3A_104 = arith.constant 0 : i32
      %ne3A_105 = arith.cmpi ne, %rem3A_103, %ne3A_104 : i32
      %lt3A_106 = arith.constant 0 : i32
      %lt3A_107 = arith.cmpi slt, %rem3A_103, %lt3A_106 : i32
      %lt3A_108 = arith.constant 0 : i32
      %lt3A_109 = arith.cmpi slt, %select_n3A_102, %lt3A_108 : i32
      %ne3A_110 = arith.xori %lt3A_107, %lt3A_109 : i1
      %and3A_111 = arith.andi %ne3A_110, %ne3A_105 : i1
      %add3A_112 = arith.addi %rem3A_103, %select_n3A_102 : i32
      %select_n3A_113 = arith.select %and3A_111, %add3A_112, %rem3A_103 : i32
      %add3A_114 = arith.constant 1 : i32
      %add3A_115 = arith.addi %scan3A_94, %add3A_114 : i32
      %jit3A_116 = arith.constant 2 : i32
      %eq3A_117 = arith.constant 0 : i32
      %eq3A_118 = arith.cmpi eq, %jit3A_116, %eq3A_117 : i32
      %jit3A_119 = arith.constant 1 : i32
      %select_n3A_120 = arith.select %eq3A_118, %jit3A_119, %jit3A_116 : i32
      %rem3A_121 = arith.remsi %add3A_115, %select_n3A_120 : i32
      %ne3A_122 = arith.constant 0 : i32
      %ne3A_123 = arith.cmpi ne, %rem3A_121, %ne3A_122 : i32
      %lt3A_124 = arith.constant 0 : i32
      %lt3A_125 = arith.cmpi slt, %rem3A_121, %lt3A_124 : i32
      %lt3A_126 = arith.constant 0 : i32
      %lt3A_127 = arith.cmpi slt, %select_n3A_120, %lt3A_126 : i32
      %ne3A_128 = arith.xori %lt3A_125, %lt3A_127 : i1
      %and3A_129 = arith.andi %ne3A_128, %ne3A_123 : i1
      %add3A_130 = arith.addi %rem3A_121, %select_n3A_120 : i32
      %select_n3A_131 = arith.select %and3A_129, %add3A_130, %rem3A_121 : i32
      %dma_wait3A_132 = arith.constant 0 : i32
      %dma_wait3A_133 = arith.constant 0 : i32
      %dma_wait3A_134 = arith.constant 0 : i32
      %dma_wait3A_135 = tpu.memref_slice %arg6[%select_n3A_113, %dma_wait3A_132, %dma_wait3A_133, %dma_wait3A_134] : memref<2x2x128x128xf32, #tpu.memory_space<vmem>> -> memref<1x1x128x128xf32, #tpu.memory_space<vmem>>
      %dma_wait3A_136 = tpu.memref_squeeze %dma_wait3A_135 : memref<1x1x128x128xf32, #tpu.memory_space<vmem>> -> memref<128x128xf32, #tpu.memory_space<vmem>>
      %dma_wait3A_137 = arith.constant 0 : i32
      %dma_wait3A_138 = tpu.memref_slice %arg5[%dma_wait3A_137] : memref<6400xi32, #tpu.memory_space<vmem>> -> memref<128xi32, #tpu.memory_space<vmem>>
      %dma_wait3A_139 = arith.constant 0 : i32
      %dma_wait3A_140 = arith.constant 0 : i32
      %dma_wait3A_141 = tpu.memref_slice %arg2[%dma_wait3A_139, %dma_wait3A_140] : memref<32768x128xf32, #tpu.memory_space<hbm>> -> memref<32768x128xf32, #tpu.memory_space<hbm>>
      tpu.wait_indirect_dma semaphore(%arg7 : memref<!tpu.dma_semaphore, #tpu.memory_space<semaphore_mem>>) src(%dma_wait3A_141 : memref<32768x128xf32, #tpu.memory_space<hbm>>) dst(%dma_wait3A_136 : memref<128x128xf32, #tpu.memory_space<vmem>>)
      %dma_wait3A_142 = arith.constant 1 : i32
      %dma_wait3A_143 = arith.constant 0 : i32
      %dma_wait3A_144 = arith.constant 0 : i32
      %dma_wait3A_145 = tpu.memref_slice %arg6[%select_n3A_113, %dma_wait3A_142, %dma_wait3A_143, %dma_wait3A_144] : memref<2x2x128x128xf32, #tpu.memory_space<vmem>> -> memref<1x1x128x128xf32, #tpu.memory_space<vmem>>
      %dma_wait3A_146 = tpu.memref_squeeze %dma_wait3A_145 : memref<1x1x128x128xf32, #tpu.memory_space<vmem>> -> memref<128x128xf32, #tpu.memory_space<vmem>>
      %dma_wait3A_147 = arith.constant 0 : i32
      %dma_wait3A_148 = tpu.memref_slice %arg5[%dma_wait3A_147] : memref<6400xi32, #tpu.memory_space<vmem>> -> memref<128xi32, #tpu.memory_space<vmem>>
      %dma_wait3A_149 = arith.constant 0 : i32
      %dma_wait3A_150 = arith.constant 0 : i32
      %dma_wait3A_151 = tpu.memref_slice %arg2[%dma_wait3A_149, %dma_wait3A_150] : memref<32768x128xf32, #tpu.memory_space<hbm>> -> memref<32768x128xf32, #tpu.memory_space<hbm>>
      tpu.wait_indirect_dma semaphore(%arg7 : memref<!tpu.dma_semaphore, #tpu.memory_space<semaphore_mem>>) src(%dma_wait3A_151 : memref<32768x128xf32, #tpu.memory_space<hbm>>) dst(%dma_wait3A_146 : memref<128x128xf32, #tpu.memory_space<vmem>>)
      %ge3A = arith.constant 1 : i32
      %ge3A_152 = arith.cmpi sge, %scan3A_94, %ge3A : i32
      %convert_element_type3A = arith.extui %ge3A_152 : i1 to i32
      %cond3A = arith.constant 0 : i32
      %cond3A_153 = arith.cmpi ne, %convert_element_type3A, %cond3A : i32
      scf.if %cond3A_153 {
        %dma_wait3A_201 = arith.constant 0 : i32
        %dma_wait3A_202 = arith.constant 0 : i32
        %dma_wait3A_203 = arith.constant 0 : i32
        %dma_wait3A_204 = arith.constant 0 : i32
        %dma_wait3A_205 = tpu.memref_slice %arg6[%select_n3A_131, %dma_wait3A_201, %dma_wait3A_203, %dma_wait3A_204] : memref<2x2x128x128xf32, #tpu.memory_space<vmem>> -> memref<1x1x128x128xf32, #tpu.memory_space<vmem>>
        %dma_wait3A_206 = tpu.memref_squeeze %dma_wait3A_205 : memref<1x1x128x128xf32, #tpu.memory_space<vmem>> -> memref<128x128xf32, #tpu.memory_space<vmem>>
        %dma_wait3A_207 = arith.constant 0 : i32
        %dma_wait3A_208 = arith.constant 0 : i32
        %dma_wait3A_209 = tpu.memref_slice %arg4[%dma_wait3A_202, %dma_wait3A_207, %dma_wait3A_208] : memref<1600x128x128xf32, #tpu.memory_space<hbm>> -> memref<1x128x128xf32, #tpu.memory_space<hbm>>
        %dma_wait3A_210 = tpu.memref_squeeze %dma_wait3A_209 : memref<1x128x128xf32, #tpu.memory_space<hbm>> -> memref<128x128xf32, #tpu.memory_space<hbm>>
        %dma_wait3A_211 = arith.constant 0 : i32
        %dma_wait3A_212 = arith.constant 0 : i32
        %dma_wait3A_213 = tpu.memref_slice %arg4[%dma_wait3A_202, %dma_wait3A_211, %dma_wait3A_212] : memref<1600x128x128xf32, #tpu.memory_space<hbm>> -> memref<1x128x128xf32, #tpu.memory_space<hbm>>
        %dma_wait3A_214 = tpu.memref_squeeze %dma_wait3A_213 : memref<1x128x128xf32, #tpu.memory_space<hbm>> -> memref<128x128xf32, #tpu.memory_space<hbm>>
        %dma_wait3A_215 = arith.constant 0 : i32
        %dma_wait3A_216 = arith.constant 0 : i32
        %dma_wait3A_217 = tpu.memref_slice %arg6[%select_n3A_131, %dma_wait3A_201, %dma_wait3A_215, %dma_wait3A_216] : memref<2x2x128x128xf32, #tpu.memory_space<vmem>> -> memref<1x1x128x128xf32, #tpu.memory_space<vmem>>
        %dma_wait3A_218 = tpu.memref_squeeze %dma_wait3A_217 : memref<1x1x128x128xf32, #tpu.memory_space<vmem>> -> memref<128x128xf32, #tpu.memory_space<vmem>>
        tpu.wait_dma2 semaphore(%arg8 : memref<!tpu.dma_semaphore, #tpu.memory_space<semaphore_mem>>) src(%dma_wait3A_218 : memref<128x128xf32, #tpu.memory_space<vmem>>) dst(%dma_wait3A_214 : memref<128x128xf32, #tpu.memory_space<hbm>>)
        %dma_wait3A_219 = arith.constant 1 : i32
        %dma_wait3A_220 = arith.constant 1 : i32
        %dma_wait3A_221 = arith.constant 0 : i32
        %dma_wait3A_222 = arith.constant 0 : i32
        %dma_wait3A_223 = tpu.memref_slice %arg6[%select_n3A_131, %dma_wait3A_219, %dma_wait3A_221, %dma_wait3A_222] : memref<2x2x128x128xf32, #tpu.memory_space<vmem>> -> memref<1x1x128x128xf32, #tpu.memory_space<vmem>>
        %dma_wait3A_224 = tpu.memref_squeeze %dma_wait3A_223 : memref<1x1x128x128xf32, #tpu.memory_space<vmem>> -> memref<128x128xf32, #tpu.memory_space<vmem>>
        %dma_wait3A_225 = arith.constant 0 : i32
        %dma_wait3A_226 = arith.constant 0 : i32
        %dma_wait3A_227 = tpu.memref_slice %arg4[%dma_wait3A_220, %dma_wait3A_225, %dma_wait3A_226] : memref<1600x128x128xf32, #tpu.memory_space<hbm>> -> memref<1x128x128xf32, #tpu.memory_space<hbm>>
        %dma_wait3A_228 = tpu.memref_squeeze %dma_wait3A_227 : memref<1x128x128xf32, #tpu.memory_space<hbm>> -> memref<128x128xf32, #tpu.memory_space<hbm>>
        %dma_wait3A_229 = arith.constant 0 : i32
        %dma_wait3A_230 = arith.constant 0 : i32
        %dma_wait3A_231 = tpu.memref_slice %arg4[%dma_wait3A_220, %dma_wait3A_229, %dma_wait3A_230] : memref<1600x128x128xf32, #tpu.memory_space<hbm>> -> memref<1x128x128xf32, #tpu.memory_space<hbm>>
        %dma_wait3A_232 = tpu.memref_squeeze %dma_wait3A_231 : memref<1x128x128xf32, #tpu.memory_space<hbm>> -> memref<128x128xf32, #tpu.memory_space<hbm>>
        %dma_wait3A_233 = arith.constant 0 : i32
        %dma_wait3A_234 = arith.constant 0 : i32
        %dma_wait3A_235 = tpu.memref_slice %arg6[%select_n3A_131, %dma_wait3A_219, %dma_wait3A_233, %dma_wait3A_234] : memref<2x2x128x128xf32, #tpu.memory_space<vmem>> -> memref<1x1x128x128xf32, #tpu.memory_space<vmem>>
        %dma_wait3A_236 = tpu.memref_squeeze %dma_wait3A_235 : memref<1x1x128x128xf32, #tpu.memory_space<vmem>> -> memref<128x128xf32, #tpu.memory_space<vmem>>
        tpu.wait_dma2 semaphore(%arg8 : memref<!tpu.dma_semaphore, #tpu.memory_space<semaphore_mem>>) src(%dma_wait3A_236 : memref<128x128xf32, #tpu.memory_space<vmem>>) dst(%dma_wait3A_232 : memref<128x128xf32, #tpu.memory_space<hbm>>)
      } else {
      }
      %add3A_154 = arith.constant 1 : i32
      %add3A_155 = arith.addi %scan3A_94, %add3A_154 : i32
      %lt3A_156 = arith.constant 25 : i32
      %lt3A_157 = arith.cmpi slt, %add3A_155, %lt3A_156 : i32
      %convert_element_type3A_158 = arith.extui %lt3A_157 : i1 to i32
      %cond3A_159 = arith.constant 0 : i32
      %cond3A_160 = arith.cmpi ne, %convert_element_type3A_158, %cond3A_159 : i32
      scf.if %cond3A_160 {
        %add3A_201 = arith.constant 1 : i32
        %add3A_202 = arith.addi %scan3A_94, %add3A_201 : i32
        %mul3A_203 = arith.constant 256 : i32
        %mul3A_204 = arith.muli %add3A_202, %mul3A_203 : i32
        %dma_start3A_205 = arith.constant 0 : i32
        %dma_start3A_206 = arith.constant 0 : i32
        %dma_start3A_207 = arith.constant 0 : i32
        %dma_start3A_208 = tpu.memref_slice %arg6[%select_n3A_131, %dma_start3A_205, %dma_start3A_206, %dma_start3A_207] : memref<2x2x128x128xf32, #tpu.memory_space<vmem>> -> memref<1x1x128x128xf32, #tpu.memory_space<vmem>>
        %dma_start3A_209 = tpu.memref_squeeze %dma_start3A_208 : memref<1x1x128x128xf32, #tpu.memory_space<vmem>> -> memref<128x128xf32, #tpu.memory_space<vmem>>
        %dma_start3A_210 = tpu.memref_slice %arg5[%mul3A_204] : memref<6400xi32, #tpu.memory_space<vmem>> -> memref<128xi32, #tpu.memory_space<vmem>>
        %dma_start3A_211 = arith.constant 0 : i32
        %dma_start3A_212 = arith.constant 0 : i32
        %dma_start3A_213 = tpu.memref_slice %arg2[%dma_start3A_211, %dma_start3A_212] : memref<32768x128xf32, #tpu.memory_space<hbm>> -> memref<32768x128xf32, #tpu.memory_space<hbm>>
        tpu.enqueue_indirect_dma source(%dma_start3A_213 : memref<32768x128xf32, #tpu.memory_space<hbm>>) target(%dma_start3A_209 : memref<128x128xf32, #tpu.memory_space<vmem>>) offsets(%dma_start3A_210 : memref<128xi32, #tpu.memory_space<vmem>>) semaphore(%arg7 : memref<!tpu.dma_semaphore, #tpu.memory_space<semaphore_mem>>)
        %mul3A_214 = arith.constant 256 : i32
        %mul3A_215 = arith.muli %add3A_202, %mul3A_214 : i32
        %add3A_216 = arith.constant 128 : i32
        %add3A_217 = arith.addi %mul3A_215, %add3A_216 : i32
        %dma_start3A_218 = arith.constant 1 : i32
        %dma_start3A_219 = arith.constant 0 : i32
        %dma_start3A_220 = arith.constant 0 : i32
        %dma_start3A_221 = tpu.memref_slice %arg6[%select_n3A_131, %dma_start3A_218, %dma_start3A_219, %dma_start3A_220] : memref<2x2x128x128xf32, #tpu.memory_space<vmem>> -> memref<1x1x128x128xf32, #tpu.memory_space<vmem>>
        %dma_start3A_222 = tpu.memref_squeeze %dma_start3A_221 : memref<1x1x128x128xf32, #tpu.memory_space<vmem>> -> memref<128x128xf32, #tpu.memory_space<vmem>>
        %dma_start3A_223 = tpu.memref_slice %arg5[%add3A_217] : memref<6400xi32, #tpu.memory_space<vmem>> -> memref<128xi32, #tpu.memory_space<vmem>>
        %dma_start3A_224 = arith.constant 0 : i32
        %dma_start3A_225 = arith.constant 0 : i32
        %dma_start3A_226 = tpu.memref_slice %arg2[%dma_start3A_224, %dma_start3A_225] : memref<32768x128xf32, #tpu.memory_space<hbm>> -> memref<32768x128xf32, #tpu.memory_space<hbm>>
        tpu.enqueue_indirect_dma source(%dma_start3A_226 : memref<32768x128xf32, #tpu.memory_space<hbm>>) target(%dma_start3A_222 : memref<128x128xf32, #tpu.memory_space<vmem>>) offsets(%dma_start3A_223 : memref<128xi32, #tpu.memory_space<vmem>>) semaphore(%arg7 : memref<!tpu.dma_semaphore, #tpu.memory_space<semaphore_mem>>)
      } else {
      }
      %mul3A_161 = arith.constant 2 : i32
      %mul3A_162 = arith.muli %mul3A_161, %add3A_97 : i32
      %dma_start3A_163 = arith.constant 0 : i32
      %dma_start3A_164 = arith.constant 0 : i32
      %dma_start3A_165 = arith.constant 0 : i32
      %dma_start3A_166 = tpu.memref_slice %arg6[%select_n3A_113, %dma_start3A_163, %dma_start3A_164, %dma_start3A_165] : memref<2x2x128x128xf32, #tpu.memory_space<vmem>> -> memref<1x1x128x128xf32, #tpu.memory_space<vmem>>
      %dma_start3A_167 = tpu.memref_squeeze %dma_start3A_166 : memref<1x1x128x128xf32, #tpu.memory_space<vmem>> -> memref<128x128xf32, #tpu.memory_space<vmem>>
      %dma_start3A_168 = arith.constant 0 : i32
      %dma_start3A_169 = arith.constant 0 : i32
      %dma_start3A_170 = tpu.memref_slice %arg4[%mul3A_162, %dma_start3A_168, %dma_start3A_169] : memref<1600x128x128xf32, #tpu.memory_space<hbm>> -> memref<1x128x128xf32, #tpu.memory_space<hbm>>
      %dma_start3A_171 = tpu.memref_squeeze %dma_start3A_170 : memref<1x128x128xf32, #tpu.memory_space<hbm>> -> memref<128x128xf32, #tpu.memory_space<hbm>>
      %dma_start3A_172 = arith.constant 0 : i32
      %dma_start3A_173 = arith.constant 0 : i32
      %dma_start3A_174 = tpu.memref_slice %arg4[%mul3A_162, %dma_start3A_172, %dma_start3A_173] : memref<1600x128x128xf32, #tpu.memory_space<hbm>> -> memref<1x128x128xf32, #tpu.memory_space<hbm>>
      %dma_start3A_175 = tpu.memref_squeeze %dma_start3A_174 : memref<1x128x128xf32, #tpu.memory_space<hbm>> -> memref<128x128xf32, #tpu.memory_space<hbm>>
      %dma_start3A_176 = arith.constant 0 : i32
      %dma_start3A_177 = arith.constant 0 : i32
      %dma_start3A_178 = tpu.memref_slice %arg6[%select_n3A_113, %dma_start3A_163, %dma_start3A_176, %dma_start3A_177] : memref<2x2x128x128xf32, #tpu.memory_space<vmem>> -> memref<1x1x128x128xf32, #tpu.memory_space<vmem>>
      %dma_start3A_179 = tpu.memref_squeeze %dma_start3A_178 : memref<1x1x128x128xf32, #tpu.memory_space<vmem>> -> memref<128x128xf32, #tpu.memory_space<vmem>>
      tpu.enqueue_dma source(%dma_start3A_179 : memref<128x128xf32, #tpu.memory_space<vmem>>) target(%dma_start3A_175 : memref<128x128xf32, #tpu.memory_space<hbm>>) target_semaphore(%arg8 : memref<!tpu.dma_semaphore, #tpu.memory_space<semaphore_mem>>)
      %mul3A_180 = arith.constant 2 : i32
      %mul3A_181 = arith.muli %mul3A_180, %add3A_97 : i32
      %add3A_182 = arith.constant 1 : i32
      %add3A_183 = arith.addi %mul3A_181, %add3A_182 : i32
      %dma_start3A_184 = arith.constant 1 : i32
      %dma_start3A_185 = arith.constant 0 : i32
      %dma_start3A_186 = arith.constant 0 : i32
      %dma_start3A_187 = tpu.memref_slice %arg6[%select_n3A_113, %dma_start3A_184, %dma_start3A_185, %dma_start3A_186] : memref<2x2x128x128xf32, #tpu.memory_space<vmem>> -> memref<1x1x128x128xf32, #tpu.memory_space<vmem>>
      %dma_start3A_188 = tpu.memref_squeeze %dma_start3A_187 : memref<1x1x128x128xf32, #tpu.memory_space<vmem>> -> memref<128x128xf32, #tpu.memory_space<vmem>>
      %dma_start3A_189 = arith.constant 0 : i32
      %dma_start3A_190 = arith.constant 0 : i32
      %dma_start3A_191 = tpu.memref_slice %arg4[%add3A_183, %dma_start3A_189, %dma_start3A_190] : memref<1600x128x128xf32, #tpu.memory_space<hbm>> -> memref<1x128x128xf32, #tpu.memory_space<hbm>>
      %dma_start3A_192 = tpu.memref_squeeze %dma_start3A_191 : memref<1x128x128xf32, #tpu.memory_space<hbm>> -> memref<128x128xf32, #tpu.memory_space<hbm>>
      %dma_start3A_193 = arith.constant 0 : i32
      %dma_start3A_194 = arith.constant 0 : i32
      %dma_start3A_195 = tpu.memref_slice %arg4[%add3A_183, %dma_start3A_193, %dma_start3A_194] : memref<1600x128x128xf32, #tpu.memory_space<hbm>> -> memref<1x128x128xf32, #tpu.memory_space<hbm>>
      %dma_start3A_196 = tpu.memref_squeeze %dma_start3A_195 : memref<1x128x128xf32, #tpu.memory_space<hbm>> -> memref<128x128xf32, #tpu.memory_space<hbm>>
      %dma_start3A_197 = arith.constant 0 : i32
      %dma_start3A_198 = arith.constant 0 : i32
      %dma_start3A_199 = tpu.memref_slice %arg6[%select_n3A_113, %dma_start3A_184, %dma_start3A_197, %dma_start3A_198] : memref<2x2x128x128xf32, #tpu.memory_space<vmem>> -> memref<1x1x128x128xf32, #tpu.memory_space<vmem>>
      %dma_start3A_200 = tpu.memref_squeeze %dma_start3A_199 : memref<1x1x128x128xf32, #tpu.memory_space<vmem>> -> memref<128x128xf32, #tpu.memory_space<vmem>>
      tpu.enqueue_dma source(%dma_start3A_200 : memref<128x128xf32, #tpu.memory_space<vmem>>) target(%dma_start3A_196 : memref<128x128xf32, #tpu.memory_space<hbm>>) target_semaphore(%arg8 : memref<!tpu.dma_semaphore, #tpu.memory_space<semaphore_mem>>)
    }
    %scan3A_56 = arith.constant 25 : i32
    %dma_wait3A = arith.constant 0 : i32
    %dma_wait3A_57 = arith.constant 0 : i32
    %dma_wait3A_58 = arith.constant 0 : i32
    %dma_wait3A_59 = arith.constant 0 : i32
    %dma_wait3A_60 = arith.constant 0 : i32
    %dma_wait3A_61 = tpu.memref_slice %arg6[%dma_wait3A, %dma_wait3A_57, %dma_wait3A_59, %dma_wait3A_60] : memref<2x2x128x128xf32, #tpu.memory_space<vmem>> -> memref<1x1x128x128xf32, #tpu.memory_space<vmem>>
    %dma_wait3A_62 = tpu.memref_squeeze %dma_wait3A_61 : memref<1x1x128x128xf32, #tpu.memory_space<vmem>> -> memref<128x128xf32, #tpu.memory_space<vmem>>
    %dma_wait3A_63 = arith.constant 0 : i32
    %dma_wait3A_64 = arith.constant 0 : i32
    %dma_wait3A_65 = tpu.memref_slice %arg4[%dma_wait3A_58, %dma_wait3A_63, %dma_wait3A_64] : memref<1600x128x128xf32, #tpu.memory_space<hbm>> -> memref<1x128x128xf32, #tpu.memory_space<hbm>>
    %dma_wait3A_66 = tpu.memref_squeeze %dma_wait3A_65 : memref<1x128x128xf32, #tpu.memory_space<hbm>> -> memref<128x128xf32, #tpu.memory_space<hbm>>
    %dma_wait3A_67 = arith.constant 0 : i32
    %dma_wait3A_68 = arith.constant 0 : i32
    %dma_wait3A_69 = tpu.memref_slice %arg4[%dma_wait3A_58, %dma_wait3A_67, %dma_wait3A_68] : memref<1600x128x128xf32, #tpu.memory_space<hbm>> -> memref<1x128x128xf32, #tpu.memory_space<hbm>>
    %dma_wait3A_70 = tpu.memref_squeeze %dma_wait3A_69 : memref<1x128x128xf32, #tpu.memory_space<hbm>> -> memref<128x128xf32, #tpu.memory_space<hbm>>
    %dma_wait3A_71 = arith.constant 0 : i32
    %dma_wait3A_72 = arith.constant 0 : i32
    %dma_wait3A_73 = tpu.memref_slice %arg6[%dma_wait3A, %dma_wait3A_57, %dma_wait3A_71, %dma_wait3A_72] : memref<2x2x128x128xf32, #tpu.memory_space<vmem>> -> memref<1x1x128x128xf32, #tpu.memory_space<vmem>>
    %dma_wait3A_74 = tpu.memref_squeeze %dma_wait3A_73 : memref<1x1x128x128xf32, #tpu.memory_space<vmem>> -> memref<128x128xf32, #tpu.memory_space<vmem>>
    tpu.wait_dma2 semaphore(%arg8 : memref<!tpu.dma_semaphore, #tpu.memory_space<semaphore_mem>>) src(%dma_wait3A_74 : memref<128x128xf32, #tpu.memory_space<vmem>>) dst(%dma_wait3A_70 : memref<128x128xf32, #tpu.memory_space<hbm>>)
    %dma_wait3A_75 = arith.constant 0 : i32
    %dma_wait3A_76 = arith.constant 1 : i32
    %dma_wait3A_77 = arith.constant 1 : i32
    %dma_wait3A_78 = arith.constant 0 : i32
    %dma_wait3A_79 = arith.constant 0 : i32
    %dma_wait3A_80 = tpu.memref_slice %arg6[%dma_wait3A_75, %dma_wait3A_76, %dma_wait3A_78, %dma_wait3A_79] : memref<2x2x128x128xf32, #tpu.memory_space<vmem>> -> memref<1x1x128x128xf32, #tpu.memory_space<vmem>>
    %dma_wait3A_81 = tpu.memref_squeeze %dma_wait3A_80 : memref<1x1x128x128xf32, #tpu.memory_space<vmem>> -> memref<128x128xf32, #tpu.memory_space<vmem>>
    %dma_wait3A_82 = arith.constant 0 : i32
    %dma_wait3A_83 = arith.constant 0 : i32
    %dma_wait3A_84 = tpu.memref_slice %arg4[%dma_wait3A_77, %dma_wait3A_82, %dma_wait3A_83] : memref<1600x128x128xf32, #tpu.memory_space<hbm>> -> memref<1x128x128xf32, #tpu.memory_space<hbm>>
    %dma_wait3A_85 = tpu.memref_squeeze %dma_wait3A_84 : memref<1x128x128xf32, #tpu.memory_space<hbm>> -> memref<128x128xf32, #tpu.memory_space<hbm>>
    %dma_wait3A_86 = arith.constant 0 : i32
    %dma_wait3A_87 = arith.constant 0 : i32
    %dma_wait3A_88 = tpu.memref_slice %arg4[%dma_wait3A_77, %dma_wait3A_86, %dma_wait3A_87] : memref<1600x128x128xf32, #tpu.memory_space<hbm>> -> memref<1x128x128xf32, #tpu.memory_space<hbm>>
    %dma_wait3A_89 = tpu.memref_squeeze %dma_wait3A_88 : memref<1x128x128xf32, #tpu.memory_space<hbm>> -> memref<128x128xf32, #tpu.memory_space<hbm>>
    %dma_wait3A_90 = arith.constant 0 : i32
    %dma_wait3A_91 = arith.constant 0 : i32
    %dma_wait3A_92 = tpu.memref_slice %arg6[%dma_wait3A_75, %dma_wait3A_76, %dma_wait3A_90, %dma_wait3A_91] : memref<2x2x128x128xf32, #tpu.memory_space<vmem>> -> memref<1x1x128x128xf32, #tpu.memory_space<vmem>>
    %dma_wait3A_93 = tpu.memref_squeeze %dma_wait3A_92 : memref<1x1x128x128xf32, #tpu.memory_space<vmem>> -> memref<128x128xf32, #tpu.memory_space<vmem>>
    tpu.wait_dma2 semaphore(%arg8 : memref<!tpu.dma_semaphore, #tpu.memory_space<semaphore_mem>>) src(%dma_wait3A_93 : memref<128x128xf32, #tpu.memory_space<vmem>>) dst(%dma_wait3A_89 : memref<128x128xf32, #tpu.memory_space<hbm>>)
    return
  }
}

module attributes {stable_mosaic.version = 14 : i64} {
  func.func @_repack_body(%arg0: i32, %arg1: memref<1x8x64x256xf32, #tpu.memory_space<vmem>>, %arg2: memref<2x512x128xf32, #tpu.memory_space<vmem>>) attributes {dimension_semantics = [#tpu.dimension_semantics<arbitrary>], iteration_bounds = array<i64: 32>, scalar_prefetch = 0 : i64, scratch_operands = 0 : i64, tpu.core_type = #tpu.core_type<tc>, window_params = [{transform_indices = @transform_0, window_bounds = array<i64: 1, 8, 64, 256>}, {transform_indices = @transform_1, window_bounds = array<i64: 2, 512, 128>}]} {
    %get3A = arith.constant 0 : index
    %get3A_0 = arith.constant 0 : index
    %get3A_1 = arith.constant 0 : index
    %get3A_2 = arith.constant 0 : index
    %get3A_3 = vector.load %arg1[%get3A, %get3A_0, %get3A_1, %get3A_2] : memref<1x8x64x256xf32, #tpu.memory_space<vmem>>, vector<1x8x64x256xf32>
    %get3A_4 = vector.shape_cast %get3A_3 : vector<1x8x64x256xf32> to vector<8x64x256xf32>
    %slice3A = vector.extract_strided_slice %get3A_4 {offsets = [0, 0, 0], sizes = [8, 64, 128], strides = [1, 1, 1]} : vector<8x64x256xf32> to vector<8x64x128xf32>
    %reshape3A = vector.shape_cast %slice3A : vector<8x64x128xf32> to vector<512x128xf32>
    %swap3A = arith.constant 0 : index
    %swap3A_5 = arith.constant 0 : index
    %swap3A_6 = arith.constant 0 : index
    %swap3A_7 = vector.load %arg2[%swap3A, %swap3A_5, %swap3A_6] : memref<2x512x128xf32, #tpu.memory_space<vmem>>, vector<1x512x128xf32>
    %swap3A_8 = vector.shape_cast %swap3A_7 : vector<1x512x128xf32> to vector<512x128xf32>
    %swap3A_9 = vector.shape_cast %reshape3A : vector<512x128xf32> to vector<1x512x128xf32>
    tpu.vector_store %arg2[%swap3A, %swap3A_5, %swap3A_6], %swap3A_9 {strides = array<i32>} : memref<2x512x128xf32, #tpu.memory_space<vmem>>, vector<1x512x128xf32>,
    %slice3A_10 = vector.extract_strided_slice %get3A_4 {offsets = [0, 0, 128], sizes = [8, 64, 128], strides = [1, 1, 1]} : vector<8x64x256xf32> to vector<8x64x128xf32>
    %reshape3A_11 = vector.shape_cast %slice3A_10 : vector<8x64x128xf32> to vector<512x128xf32>
    %swap3A_12 = arith.constant 1 : index
    %swap3A_13 = arith.constant 0 : index
    %swap3A_14 = arith.constant 0 : index
    %swap3A_15 = vector.load %arg2[%swap3A_12, %swap3A_13, %swap3A_14] : memref<2x512x128xf32, #tpu.memory_space<vmem>>, vector<1x512x128xf32>
    %swap3A_16 = vector.shape_cast %swap3A_15 : vector<1x512x128xf32> to vector<512x128xf32>
    %swap3A_17 = vector.shape_cast %reshape3A_11 : vector<512x128xf32> to vector<1x512x128xf32>
    tpu.vector_store %arg2[%swap3A_12, %swap3A_13, %swap3A_14], %swap3A_17 {strides = array<i32>} : memref<2x512x128xf32, #tpu.memory_space<vmem>>, vector<1x512x128xf32>,
    return
  }
  func.func @transform_0(%arg0: i32) -> (i32, i32, i32, i32) {
    %jit3A = arith.constant 8 : i32
    %div3A = arith.divsi %arg0, %jit3A : i32
    %sign3A = arith.constant 0 : i32
    %sign3A_0 = arith.cmpi sgt, %arg0, %sign3A : i32
    %sign3A_1 = arith.extui %sign3A_0 : i1 to i32
    %sign3A_2 = arith.constant 0 : i32
    %sign3A_3 = arith.cmpi slt, %arg0, %sign3A_2 : i32
    %sign3A_4 = arith.extui %sign3A_3 : i1 to i32
    %sign3A_5 = arith.subi %sign3A_1, %sign3A_4 : i32
    %sign3A_6 = arith.constant 0 : i32
    %sign3A_7 = arith.cmpi sgt, %jit3A, %sign3A_6 : i32
    %sign3A_8 = arith.extui %sign3A_7 : i1 to i32
    %sign3A_9 = arith.constant 0 : i32
    %sign3A_10 = arith.cmpi slt, %jit3A, %sign3A_9 : i32
    %sign3A_11 = arith.extui %sign3A_10 : i1 to i32
    %sign3A_12 = arith.subi %sign3A_8, %sign3A_11 : i32
    %ne3A = arith.cmpi ne, %sign3A_5, %sign3A_12 : i32
    %rem3A = arith.remsi %arg0, %jit3A : i32
    %ne3A_13 = arith.constant 0 : i32
    %ne3A_14 = arith.cmpi ne, %rem3A, %ne3A_13 : i32
    %and3A = arith.andi %ne3A, %ne3A_14 : i1
    %sub3A = arith.constant 1 : i32
    %sub3A_15 = arith.subi %div3A, %sub3A : i32
    %select_n3A = arith.select %and3A, %sub3A_15, %div3A : i32
    %jit3A_16 = arith.constant 8 : i32
    %eq3A = arith.constant 0 : i32
    %eq3A_17 = arith.cmpi eq, %jit3A_16, %eq3A : i32
    %jit3A_18 = arith.constant 1 : i32
    %select_n3A_19 = arith.select %eq3A_17, %jit3A_18, %jit3A_16 : i32
    %rem3A_20 = arith.remsi %arg0, %select_n3A_19 : i32
    %ne3A_21 = arith.constant 0 : i32
    %ne3A_22 = arith.cmpi ne, %rem3A_20, %ne3A_21 : i32
    %lt3A = arith.constant 0 : i32
    %lt3A_23 = arith.cmpi slt, %rem3A_20, %lt3A : i32
    %lt3A_24 = arith.constant 0 : i32
    %lt3A_25 = arith.cmpi slt, %select_n3A_19, %lt3A_24 : i32
    %ne3A_26 = arith.xori %lt3A_23, %lt3A_25 : i1
    %and3A_27 = arith.andi %ne3A_26, %ne3A_22 : i1
    %add3A = arith.addi %rem3A_20, %select_n3A_19 : i32
    %select_n3A_28 = arith.select %and3A_27, %add3A, %rem3A_20 : i32
    %c0_i32 = arith.constant 0 : i32
    %c0_i32_29 = arith.constant 0 : i32
    %c0_i32_30 = arith.constant 0 : i32
    return %select_n3A, %select_n3A_28, %c0_i32, %c0_i32_29 : i32, i32, i32, i32
  }
  func.func @transform_1(%arg0: i32) -> (i32, i32, i32) {
    %c0_i32 = arith.constant 0 : i32
    %c0_i32_0 = arith.constant 0 : i32
    %c0_i32_1 = arith.constant 0 : i32
    return %c0_i32, %arg0, %c0_i32_0 : i32, i32, i32
  }
}

module attributes {stable_mosaic.version = 14 : i64} {
  func.func @_epi_body(%arg0: i32, %arg1: memref<50x128x128xf32, #tpu.memory_space<vmem>>, %arg2: memref<25x200x125xbf16, #tpu.memory_space<vmem>>, %arg3: memref<1x125x5x5x256xf32, #tpu.memory_space<vmem>>) attributes {dimension_semantics = [#tpu.dimension_semantics<arbitrary>], iteration_bounds = array<i64: 32>, scalar_prefetch = 0 : i64, scratch_operands = 0 : i64, tpu.core_type = #tpu.core_type<tc>, window_params = [{transform_indices = @transform_0, window_bounds = array<i64: 50, 128, 128>}, {transform_indices = @transform_1, window_bounds = array<i64: 25, 200, 125>}, {transform_indices = @transform_2, window_bounds = array<i64: 1, 125, 5, 5, 256>}]} {
    %get3A = arith.constant 0 : index
    %get3A_0 = arith.constant 0 : index
    %get3A_1 = arith.constant 0 : index
    %get3A_2 = vector.load %arg1[%get3A, %get3A_0, %get3A_1] : memref<50x128x128xf32, #tpu.memory_space<vmem>>, vector<1x125x128xf32>
    %get3A_3 = vector.shape_cast %get3A_2 : vector<1x125x128xf32> to vector<125x128xf32>
    %get3A_4 = arith.constant 1 : index
    %get3A_5 = arith.constant 0 : index
    %get3A_6 = arith.constant 0 : index
    %get3A_7 = vector.load %arg1[%get3A_4, %get3A_5, %get3A_6] : memref<50x128x128xf32, #tpu.memory_space<vmem>>, vector<1x125x128xf32>
    %get3A_8 = vector.shape_cast %get3A_7 : vector<1x125x128xf32> to vector<125x128xf32>
    %concatenate3A = tpu.concatenate %get3A_3, %get3A_8 in 1 : vector<125x128xf32>, vector<125x128xf32> -> vector<125x256xf32>
    %get3A_9 = arith.constant 0 : index
    %get3A_10 = arith.constant 0 : index
    %get3A_11 = arith.constant 0 : index
    %get3A_12 = vector.load %arg2[%get3A_9, %get3A_10, %get3A_11] : memref<25x200x125xbf16, #tpu.memory_space<vmem>>, vector<1x200x125xbf16>
    %get3A_13 = vector.shape_cast %get3A_12 : vector<1x200x125xbf16> to vector<200x125xbf16>
    %convert_element_type3A = arith.truncf %concatenate3A : vector<125x256xf32> to vector<125x256xbf16>
    %dot_general3A = arith.constant dense<0.000000e+00> : vector<200x256xf32>
    %dot_general3A_14 = tpu.matmul %get3A_13, %convert_element_type3A, %dot_general3A {dimension_numbers = #tpu.dot_dimension_numbers<[1], [0], [0], [1], [0, 0, 1, 1], [], []>, transpose_lhs_hint = false} : vector<200x125xbf16>, vector<125x256xbf16>, vector<200x256xf32> -> vector<200x256xf32>
    %reshape3A = vector.shape_cast %dot_general3A_14 : vector<200x256xf32> to vector<5x5x8x256xf32>
    %slice3A = vector.extract_strided_slice %reshape3A {offsets = [0, 0, 0, 0], sizes = [5, 5, 5, 256], strides = [1, 1, 1, 1]} : vector<5x5x8x256xf32> to vector<5x5x5x256xf32>
    %swap3A = arith.constant 0 : index
    %swap3A_15 = arith.constant 0 : index
    %swap3A_16 = arith.constant 0 : index
    %swap3A_17 = arith.constant 0 : index
    %swap3A_18 = arith.constant 0 : index
    %swap3A_19 = vector.load %arg3[%swap3A, %swap3A_15, %swap3A_16, %swap3A_17, %swap3A_18] : memref<1x125x5x5x256xf32, #tpu.memory_space<vmem>>, vector<1x5x5x5x256xf32>
    %swap3A_20 = vector.shape_cast %swap3A_19 : vector<1x5x5x5x256xf32> to vector<5x5x5x256xf32>
    %swap3A_21 = vector.shape_cast %slice3A : vector<5x5x5x256xf32> to vector<1x5x5x5x256xf32>
    tpu.vector_store %arg3[%swap3A, %swap3A_15, %swap3A_16, %swap3A_17, %swap3A_18], %swap3A_21 {strides = array<i32>} : memref<1x125x5x5x256xf32, #tpu.memory_space<vmem>>, vector<1x5x5x5x256xf32>,
    %get3A_22 = arith.constant 2 : index
    %get3A_23 = arith.constant 0 : index
    %get3A_24 = arith.constant 0 : index
    %get3A_25 = vector.load %arg1[%get3A_22, %get3A_23, %get3A_24] : memref<50x128x128xf32, #tpu.memory_space<vmem>>, vector<1x125x128xf32>
    %get3A_26 = vector.shape_cast %get3A_25 : vector<1x125x128xf32> to vector<125x128xf32>
    %get3A_27 = arith.constant 3 : index
    %get3A_28 = arith.constant 0 : index
    %get3A_29 = arith.constant 0 : index
    %get3A_30 = vector.load %arg1[%get3A_27, %get3A_28, %get3A_29] : memref<50x128x128xf32, #tpu.memory_space<vmem>>, vector<1x125x128xf32>
    %get3A_31 = vector.shape_cast %get3A_30 : vector<1x125x128xf32> to vector<125x128xf32>
    %concatenate3A_32 = tpu.concatenate %get3A_26, %get3A_31 in 1 : vector<125x128xf32>, vector<125x128xf32> -> vector<125x256xf32>
    %get3A_33 = arith.constant 1 : index
    %get3A_34 = arith.constant 0 : index
    %get3A_35 = arith.constant 0 : index
    %get3A_36 = vector.load %arg2[%get3A_33, %get3A_34, %get3A_35] : memref<25x200x125xbf16, #tpu.memory_space<vmem>>, vector<1x200x125xbf16>
    %get3A_37 = vector.shape_cast %get3A_36 : vector<1x200x125xbf16> to vector<200x125xbf16>
    %convert_element_type3A_38 = arith.truncf %concatenate3A_32 : vector<125x256xf32> to vector<125x256xbf16>
    %dot_general3A_39 = arith.constant dense<0.000000e+00> : vector<200x256xf32>
    %dot_general3A_40 = tpu.matmul %get3A_37, %convert_element_type3A_38, %dot_general3A_39 {dimension_numbers = #tpu.dot_dimension_numbers<[1], [0], [0], [1], [0, 0, 1, 1], [], []>, transpose_lhs_hint = false} : vector<200x125xbf16>, vector<125x256xbf16>, vector<200x256xf32> -> vector<200x256xf32>
    %reshape3A_41 = vector.shape_cast %dot_general3A_40 : vector<200x256xf32> to vector<5x5x8x256xf32>
    %slice3A_42 = vector.extract_strided_slice %reshape3A_41 {offsets = [0, 0, 0, 0], sizes = [5, 5, 5, 256], strides = [1, 1, 1, 1]} : vector<5x5x8x256xf32> to vector<5x5x5x256xf32>
    %swap3A_43 = arith.constant 0 : index
    %swap3A_44 = arith.constant 5 : index
    %swap3A_45 = arith.constant 0 : index
    %swap3A_46 = arith.constant 0 : index
    %swap3A_47 = arith.constant 0 : index
    %swap3A_48 = vector.load %arg3[%swap3A_43, %swap3A_44, %swap3A_45, %swap3A_46, %swap3A_47] : memref<1x125x5x5x256xf32, #tpu.memory_space<vmem>>, vector<1x5x5x5x256xf32>
    %swap3A_49 = vector.shape_cast %swap3A_48 : vector<1x5x5x5x256xf32> to vector<5x5x5x256xf32>
    %swap3A_50 = vector.shape_cast %slice3A_42 : vector<5x5x5x256xf32> to vector<1x5x5x5x256xf32>
    tpu.vector_store %arg3[%swap3A_43, %swap3A_44, %swap3A_45, %swap3A_46, %swap3A_47], %swap3A_50 {strides = array<i32>} : memref<1x125x5x5x256xf32, #tpu.memory_space<vmem>>, vector<1x5x5x5x256xf32>,
    %get3A_51 = arith.constant 4 : index
    %get3A_52 = arith.constant 0 : index
    %get3A_53 = arith.constant 0 : index
    %get3A_54 = vector.load %arg1[%get3A_51, %get3A_52, %get3A_53] : memref<50x128x128xf32, #tpu.memory_space<vmem>>, vector<1x125x128xf32>
    %get3A_55 = vector.shape_cast %get3A_54 : vector<1x125x128xf32> to vector<125x128xf32>
    %get3A_56 = arith.constant 5 : index
    %get3A_57 = arith.constant 0 : index
    %get3A_58 = arith.constant 0 : index
    %get3A_59 = vector.load %arg1[%get3A_56, %get3A_57, %get3A_58] : memref<50x128x128xf32, #tpu.memory_space<vmem>>, vector<1x125x128xf32>
    %get3A_60 = vector.shape_cast %get3A_59 : vector<1x125x128xf32> to vector<125x128xf32>
    %concatenate3A_61 = tpu.concatenate %get3A_55, %get3A_60 in 1 : vector<125x128xf32>, vector<125x128xf32> -> vector<125x256xf32>
    %get3A_62 = arith.constant 2 : index
    %get3A_63 = arith.constant 0 : index
    %get3A_64 = arith.constant 0 : index
    %get3A_65 = vector.load %arg2[%get3A_62, %get3A_63, %get3A_64] : memref<25x200x125xbf16, #tpu.memory_space<vmem>>, vector<1x200x125xbf16>
    %get3A_66 = vector.shape_cast %get3A_65 : vector<1x200x125xbf16> to vector<200x125xbf16>
    %convert_element_type3A_67 = arith.truncf %concatenate3A_61 : vector<125x256xf32> to vector<125x256xbf16>
    %dot_general3A_68 = arith.constant dense<0.000000e+00> : vector<200x256xf32>
    %dot_general3A_69 = tpu.matmul %get3A_66, %convert_element_type3A_67, %dot_general3A_68 {dimension_numbers = #tpu.dot_dimension_numbers<[1], [0], [0], [1], [0, 0, 1, 1], [], []>, transpose_lhs_hint = false} : vector<200x125xbf16>, vector<125x256xbf16>, vector<200x256xf32> -> vector<200x256xf32>
    %reshape3A_70 = vector.shape_cast %dot_general3A_69 : vector<200x256xf32> to vector<5x5x8x256xf32>
    %slice3A_71 = vector.extract_strided_slice %reshape3A_70 {offsets = [0, 0, 0, 0], sizes = [5, 5, 5, 256], strides = [1, 1, 1, 1]} : vector<5x5x8x256xf32> to vector<5x5x5x256xf32>
    %swap3A_72 = arith.constant 0 : index
    %swap3A_73 = arith.constant 10 : index
    %swap3A_74 = arith.constant 0 : index
    %swap3A_75 = arith.constant 0 : index
    %swap3A_76 = arith.constant 0 : index
    %swap3A_77 = vector.load %arg3[%swap3A_72, %swap3A_73, %swap3A_74, %swap3A_75, %swap3A_76] : memref<1x125x5x5x256xf32, #tpu.memory_space<vmem>>, vector<1x5x5x5x256xf32>
    %swap3A_78 = vector.shape_cast %swap3A_77 : vector<1x5x5x5x256xf32> to vector<5x5x5x256xf32>
    %swap3A_79 = vector.shape_cast %slice3A_71 : vector<5x5x5x256xf32> to vector<1x5x5x5x256xf32>
    tpu.vector_store %arg3[%swap3A_72, %swap3A_73, %swap3A_74, %swap3A_75, %swap3A_76], %swap3A_79 {strides = array<i32>} : memref<1x125x5x5x256xf32, #tpu.memory_space<vmem>>, vector<1x5x5x5x256xf32>,
    %get3A_80 = arith.constant 6 : index
    %get3A_81 = arith.constant 0 : index
    %get3A_82 = arith.constant 0 : index
    %get3A_83 = vector.load %arg1[%get3A_80, %get3A_81, %get3A_82] : memref<50x128x128xf32, #tpu.memory_space<vmem>>, vector<1x125x128xf32>
    %get3A_84 = vector.shape_cast %get3A_83 : vector<1x125x128xf32> to vector<125x128xf32>
    %get3A_85 = arith.constant 7 : index
    %get3A_86 = arith.constant 0 : index
    %get3A_87 = arith.constant 0 : index
    %get3A_88 = vector.load %arg1[%get3A_85, %get3A_86, %get3A_87] : memref<50x128x128xf32, #tpu.memory_space<vmem>>, vector<1x125x128xf32>
    %get3A_89 = vector.shape_cast %get3A_88 : vector<1x125x128xf32> to vector<125x128xf32>
    %concatenate3A_90 = tpu.concatenate %get3A_84, %get3A_89 in 1 : vector<125x128xf32>, vector<125x128xf32> -> vector<125x256xf32>
    %get3A_91 = arith.constant 3 : index
    %get3A_92 = arith.constant 0 : index
    %get3A_93 = arith.constant 0 : index
    %get3A_94 = vector.load %arg2[%get3A_91, %get3A_92, %get3A_93] : memref<25x200x125xbf16, #tpu.memory_space<vmem>>, vector<1x200x125xbf16>
    %get3A_95 = vector.shape_cast %get3A_94 : vector<1x200x125xbf16> to vector<200x125xbf16>
    %convert_element_type3A_96 = arith.truncf %concatenate3A_90 : vector<125x256xf32> to vector<125x256xbf16>
    %dot_general3A_97 = arith.constant dense<0.000000e+00> : vector<200x256xf32>
    %dot_general3A_98 = tpu.matmul %get3A_95, %convert_element_type3A_96, %dot_general3A_97 {dimension_numbers = #tpu.dot_dimension_numbers<[1], [0], [0], [1], [0, 0, 1, 1], [], []>, transpose_lhs_hint = false} : vector<200x125xbf16>, vector<125x256xbf16>, vector<200x256xf32> -> vector<200x256xf32>
    %reshape3A_99 = vector.shape_cast %dot_general3A_98 : vector<200x256xf32> to vector<5x5x8x256xf32>
    %slice3A_100 = vector.extract_strided_slice %reshape3A_99 {offsets = [0, 0, 0, 0], sizes = [5, 5, 5, 256], strides = [1, 1, 1, 1]} : vector<5x5x8x256xf32> to vector<5x5x5x256xf32>
    %swap3A_101 = arith.constant 0 : index
    %swap3A_102 = arith.constant 15 : index
    %swap3A_103 = arith.constant 0 : index
    %swap3A_104 = arith.constant 0 : index
    %swap3A_105 = arith.constant 0 : index
    %swap3A_106 = vector.load %arg3[%swap3A_101, %swap3A_102, %swap3A_103, %swap3A_104, %swap3A_105] : memref<1x125x5x5x256xf32, #tpu.memory_space<vmem>>, vector<1x5x5x5x256xf32>
    %swap3A_107 = vector.shape_cast %swap3A_106 : vector<1x5x5x5x256xf32> to vector<5x5x5x256xf32>
    %swap3A_108 = vector.shape_cast %slice3A_100 : vector<5x5x5x256xf32> to vector<1x5x5x5x256xf32>
    tpu.vector_store %arg3[%swap3A_101, %swap3A_102, %swap3A_103, %swap3A_104, %swap3A_105], %swap3A_108 {strides = array<i32>} : memref<1x125x5x5x256xf32, #tpu.memory_space<vmem>>, vector<1x5x5x5x256xf32>,
    %get3A_109 = arith.constant 8 : index
    %get3A_110 = arith.constant 0 : index
    %get3A_111 = arith.constant 0 : index
    %get3A_112 = vector.load %arg1[%get3A_109, %get3A_110, %get3A_111] : memref<50x128x128xf32, #tpu.memory_space<vmem>>, vector<1x125x128xf32>
    %get3A_113 = vector.shape_cast %get3A_112 : vector<1x125x128xf32> to vector<125x128xf32>
    %get3A_114 = arith.constant 9 : index
    %get3A_115 = arith.constant 0 : index
    %get3A_116 = arith.constant 0 : index
    %get3A_117 = vector.load %arg1[%get3A_114, %get3A_115, %get3A_116] : memref<50x128x128xf32, #tpu.memory_space<vmem>>, vector<1x125x128xf32>
    %get3A_118 = vector.shape_cast %get3A_117 : vector<1x125x128xf32> to vector<125x128xf32>
    %concatenate3A_119 = tpu.concatenate %get3A_113, %get3A_118 in 1 : vector<125x128xf32>, vector<125x128xf32> -> vector<125x256xf32>
    %get3A_120 = arith.constant 4 : index
    %get3A_121 = arith.constant 0 : index
    %get3A_122 = arith.constant 0 : index
    %get3A_123 = vector.load %arg2[%get3A_120, %get3A_121, %get3A_122] : memref<25x200x125xbf16, #tpu.memory_space<vmem>>, vector<1x200x125xbf16>
    %get3A_124 = vector.shape_cast %get3A_123 : vector<1x200x125xbf16> to vector<200x125xbf16>
    %convert_element_type3A_125 = arith.truncf %concatenate3A_119 : vector<125x256xf32> to vector<125x256xbf16>
    %dot_general3A_126 = arith.constant dense<0.000000e+00> : vector<200x256xf32>
    %dot_general3A_127 = tpu.matmul %get3A_124, %convert_element_type3A_125, %dot_general3A_126 {dimension_numbers = #tpu.dot_dimension_numbers<[1], [0], [0], [1], [0, 0, 1, 1], [], []>, transpose_lhs_hint = false} : vector<200x125xbf16>, vector<125x256xbf16>, vector<200x256xf32> -> vector<200x256xf32>
    %reshape3A_128 = vector.shape_cast %dot_general3A_127 : vector<200x256xf32> to vector<5x5x8x256xf32>
    %slice3A_129 = vector.extract_strided_slice %reshape3A_128 {offsets = [0, 0, 0, 0], sizes = [5, 5, 5, 256], strides = [1, 1, 1, 1]} : vector<5x5x8x256xf32> to vector<5x5x5x256xf32>
    %swap3A_130 = arith.constant 0 : index
    %swap3A_131 = arith.constant 20 : index
    %swap3A_132 = arith.constant 0 : index
    %swap3A_133 = arith.constant 0 : index
    %swap3A_134 = arith.constant 0 : index
    %swap3A_135 = vector.load %arg3[%swap3A_130, %swap3A_131, %swap3A_132, %swap3A_133, %swap3A_134] : memref<1x125x5x5x256xf32, #tpu.memory_space<vmem>>, vector<1x5x5x5x256xf32>
    %swap3A_136 = vector.shape_cast %swap3A_135 : vector<1x5x5x5x256xf32> to vector<5x5x5x256xf32>
    %swap3A_137 = vector.shape_cast %slice3A_129 : vector<5x5x5x256xf32> to vector<1x5x5x5x256xf32>
    tpu.vector_store %arg3[%swap3A_130, %swap3A_131, %swap3A_132, %swap3A_133, %swap3A_134], %swap3A_137 {strides = array<i32>} : memref<1x125x5x5x256xf32, #tpu.memory_space<vmem>>, vector<1x5x5x5x256xf32>,
    %get3A_138 = arith.constant 10 : index
    %get3A_139 = arith.constant 0 : index
    %get3A_140 = arith.constant 0 : index
    %get3A_141 = vector.load %arg1[%get3A_138, %get3A_139, %get3A_140] : memref<50x128x128xf32, #tpu.memory_space<vmem>>, vector<1x125x128xf32>
    %get3A_142 = vector.shape_cast %get3A_141 : vector<1x125x128xf32> to vector<125x128xf32>
    %get3A_143 = arith.constant 11 : index
    %get3A_144 = arith.constant 0 : index
    %get3A_145 = arith.constant 0 : index
    %get3A_146 = vector.load %arg1[%get3A_143, %get3A_144, %get3A_145] : memref<50x128x128xf32, #tpu.memory_space<vmem>>, vector<1x125x128xf32>
    %get3A_147 = vector.shape_cast %get3A_146 : vector<1x125x128xf32> to vector<125x128xf32>
    %concatenate3A_148 = tpu.concatenate %get3A_142, %get3A_147 in 1 : vector<125x128xf32>, vector<125x128xf32> -> vector<125x256xf32>
    %get3A_149 = arith.constant 5 : index
    %get3A_150 = arith.constant 0 : index
    %get3A_151 = arith.constant 0 : index
    %get3A_152 = vector.load %arg2[%get3A_149, %get3A_150, %get3A_151] : memref<25x200x125xbf16, #tpu.memory_space<vmem>>, vector<1x200x125xbf16>
    %get3A_153 = vector.shape_cast %get3A_152 : vector<1x200x125xbf16> to vector<200x125xbf16>
    %convert_element_type3A_154 = arith.truncf %concatenate3A_148 : vector<125x256xf32> to vector<125x256xbf16>
    %dot_general3A_155 = arith.constant dense<0.000000e+00> : vector<200x256xf32>
    %dot_general3A_156 = tpu.matmul %get3A_153, %convert_element_type3A_154, %dot_general3A_155 {dimension_numbers = #tpu.dot_dimension_numbers<[1], [0], [0], [1], [0, 0, 1, 1], [], []>, transpose_lhs_hint = false} : vector<200x125xbf16>, vector<125x256xbf16>, vector<200x256xf32> -> vector<200x256xf32>
    %reshape3A_157 = vector.shape_cast %dot_general3A_156 : vector<200x256xf32> to vector<5x5x8x256xf32>
    %slice3A_158 = vector.extract_strided_slice %reshape3A_157 {offsets = [0, 0, 0, 0], sizes = [5, 5, 5, 256], strides = [1, 1, 1, 1]} : vector<5x5x8x256xf32> to vector<5x5x5x256xf32>
    %swap3A_159 = arith.constant 0 : index
    %swap3A_160 = arith.constant 25 : index
    %swap3A_161 = arith.constant 0 : index
    %swap3A_162 = arith.constant 0 : index
    %swap3A_163 = arith.constant 0 : index
    %swap3A_164 = vector.load %arg3[%swap3A_159, %swap3A_160, %swap3A_161, %swap3A_162, %swap3A_163] : memref<1x125x5x5x256xf32, #tpu.memory_space<vmem>>, vector<1x5x5x5x256xf32>
    %swap3A_165 = vector.shape_cast %swap3A_164 : vector<1x5x5x5x256xf32> to vector<5x5x5x256xf32>
    %swap3A_166 = vector.shape_cast %slice3A_158 : vector<5x5x5x256xf32> to vector<1x5x5x5x256xf32>
    tpu.vector_store %arg3[%swap3A_159, %swap3A_160, %swap3A_161, %swap3A_162, %swap3A_163], %swap3A_166 {strides = array<i32>} : memref<1x125x5x5x256xf32, #tpu.memory_space<vmem>>, vector<1x5x5x5x256xf32>,
    %get3A_167 = arith.constant 12 : index
    %get3A_168 = arith.constant 0 : index
    %get3A_169 = arith.constant 0 : index
    %get3A_170 = vector.load %arg1[%get3A_167, %get3A_168, %get3A_169] : memref<50x128x128xf32, #tpu.memory_space<vmem>>, vector<1x125x128xf32>
    %get3A_171 = vector.shape_cast %get3A_170 : vector<1x125x128xf32> to vector<125x128xf32>
    %get3A_172 = arith.constant 13 : index
    %get3A_173 = arith.constant 0 : index
    %get3A_174 = arith.constant 0 : index
    %get3A_175 = vector.load %arg1[%get3A_172, %get3A_173, %get3A_174] : memref<50x128x128xf32, #tpu.memory_space<vmem>>, vector<1x125x128xf32>
    %get3A_176 = vector.shape_cast %get3A_175 : vector<1x125x128xf32> to vector<125x128xf32>
    %concatenate3A_177 = tpu.concatenate %get3A_171, %get3A_176 in 1 : vector<125x128xf32>, vector<125x128xf32> -> vector<125x256xf32>
    %get3A_178 = arith.constant 6 : index
    %get3A_179 = arith.constant 0 : index
    %get3A_180 = arith.constant 0 : index
    %get3A_181 = vector.load %arg2[%get3A_178, %get3A_179, %get3A_180] : memref<25x200x125xbf16, #tpu.memory_space<vmem>>, vector<1x200x125xbf16>
    %get3A_182 = vector.shape_cast %get3A_181 : vector<1x200x125xbf16> to vector<200x125xbf16>
    %convert_element_type3A_183 = arith.truncf %concatenate3A_177 : vector<125x256xf32> to vector<125x256xbf16>
    %dot_general3A_184 = arith.constant dense<0.000000e+00> : vector<200x256xf32>
    %dot_general3A_185 = tpu.matmul %get3A_182, %convert_element_type3A_183, %dot_general3A_184 {dimension_numbers = #tpu.dot_dimension_numbers<[1], [0], [0], [1], [0, 0, 1, 1], [], []>, transpose_lhs_hint = false} : vector<200x125xbf16>, vector<125x256xbf16>, vector<200x256xf32> -> vector<200x256xf32>
    %reshape3A_186 = vector.shape_cast %dot_general3A_185 : vector<200x256xf32> to vector<5x5x8x256xf32>
    %slice3A_187 = vector.extract_strided_slice %reshape3A_186 {offsets = [0, 0, 0, 0], sizes = [5, 5, 5, 256], strides = [1, 1, 1, 1]} : vector<5x5x8x256xf32> to vector<5x5x5x256xf32>
    %swap3A_188 = arith.constant 0 : index
    %swap3A_189 = arith.constant 30 : index
    %swap3A_190 = arith.constant 0 : index
    %swap3A_191 = arith.constant 0 : index
    %swap3A_192 = arith.constant 0 : index
    %swap3A_193 = vector.load %arg3[%swap3A_188, %swap3A_189, %swap3A_190, %swap3A_191, %swap3A_192] : memref<1x125x5x5x256xf32, #tpu.memory_space<vmem>>, vector<1x5x5x5x256xf32>
    %swap3A_194 = vector.shape_cast %swap3A_193 : vector<1x5x5x5x256xf32> to vector<5x5x5x256xf32>
    %swap3A_195 = vector.shape_cast %slice3A_187 : vector<5x5x5x256xf32> to vector<1x5x5x5x256xf32>
    tpu.vector_store %arg3[%swap3A_188, %swap3A_189, %swap3A_190, %swap3A_191, %swap3A_192], %swap3A_195 {strides = array<i32>} : memref<1x125x5x5x256xf32, #tpu.memory_space<vmem>>, vector<1x5x5x5x256xf32>,
    %get3A_196 = arith.constant 14 : index
    %get3A_197 = arith.constant 0 : index
    %get3A_198 = arith.constant 0 : index
    %get3A_199 = vector.load %arg1[%get3A_196, %get3A_197, %get3A_198] : memref<50x128x128xf32, #tpu.memory_space<vmem>>, vector<1x125x128xf32>
    %get3A_200 = vector.shape_cast %get3A_199 : vector<1x125x128xf32> to vector<125x128xf32>
    %get3A_201 = arith.constant 15 : index
    %get3A_202 = arith.constant 0 : index
    %get3A_203 = arith.constant 0 : index
    %get3A_204 = vector.load %arg1[%get3A_201, %get3A_202, %get3A_203] : memref<50x128x128xf32, #tpu.memory_space<vmem>>, vector<1x125x128xf32>
    %get3A_205 = vector.shape_cast %get3A_204 : vector<1x125x128xf32> to vector<125x128xf32>
    %concatenate3A_206 = tpu.concatenate %get3A_200, %get3A_205 in 1 : vector<125x128xf32>, vector<125x128xf32> -> vector<125x256xf32>
    %get3A_207 = arith.constant 7 : index
    %get3A_208 = arith.constant 0 : index
    %get3A_209 = arith.constant 0 : index
    %get3A_210 = vector.load %arg2[%get3A_207, %get3A_208, %get3A_209] : memref<25x200x125xbf16, #tpu.memory_space<vmem>>, vector<1x200x125xbf16>
    %get3A_211 = vector.shape_cast %get3A_210 : vector<1x200x125xbf16> to vector<200x125xbf16>
    %convert_element_type3A_212 = arith.truncf %concatenate3A_206 : vector<125x256xf32> to vector<125x256xbf16>
    %dot_general3A_213 = arith.constant dense<0.000000e+00> : vector<200x256xf32>
    %dot_general3A_214 = tpu.matmul %get3A_211, %convert_element_type3A_212, %dot_general3A_213 {dimension_numbers = #tpu.dot_dimension_numbers<[1], [0], [0], [1], [0, 0, 1, 1], [], []>, transpose_lhs_hint = false} : vector<200x125xbf16>, vector<125x256xbf16>, vector<200x256xf32> -> vector<200x256xf32>
    %reshape3A_215 = vector.shape_cast %dot_general3A_214 : vector<200x256xf32> to vector<5x5x8x256xf32>
    %slice3A_216 = vector.extract_strided_slice %reshape3A_215 {offsets = [0, 0, 0, 0], sizes = [5, 5, 5, 256], strides = [1, 1, 1, 1]} : vector<5x5x8x256xf32> to vector<5x5x5x256xf32>
    %swap3A_217 = arith.constant 0 : index
    %swap3A_218 = arith.constant 35 : index
    %swap3A_219 = arith.constant 0 : index
    %swap3A_220 = arith.constant 0 : index
    %swap3A_221 = arith.constant 0 : index
    %swap3A_222 = vector.load %arg3[%swap3A_217, %swap3A_218, %swap3A_219, %swap3A_220, %swap3A_221] : memref<1x125x5x5x256xf32, #tpu.memory_space<vmem>>, vector<1x5x5x5x256xf32>
    %swap3A_223 = vector.shape_cast %swap3A_222 : vector<1x5x5x5x256xf32> to vector<5x5x5x256xf32>
    %swap3A_224 = vector.shape_cast %slice3A_216 : vector<5x5x5x256xf32> to vector<1x5x5x5x256xf32>
    tpu.vector_store %arg3[%swap3A_217, %swap3A_218, %swap3A_219, %swap3A_220, %swap3A_221], %swap3A_224 {strides = array<i32>} : memref<1x125x5x5x256xf32, #tpu.memory_space<vmem>>, vector<1x5x5x5x256xf32>,
    %get3A_225 = arith.constant 16 : index
    %get3A_226 = arith.constant 0 : index
    %get3A_227 = arith.constant 0 : index
    %get3A_228 = vector.load %arg1[%get3A_225, %get3A_226, %get3A_227] : memref<50x128x128xf32, #tpu.memory_space<vmem>>, vector<1x125x128xf32>
    %get3A_229 = vector.shape_cast %get3A_228 : vector<1x125x128xf32> to vector<125x128xf32>
    %get3A_230 = arith.constant 17 : index
    %get3A_231 = arith.constant 0 : index
    %get3A_232 = arith.constant 0 : index
    %get3A_233 = vector.load %arg1[%get3A_230, %get3A_231, %get3A_232] : memref<50x128x128xf32, #tpu.memory_space<vmem>>, vector<1x125x128xf32>
    %get3A_234 = vector.shape_cast %get3A_233 : vector<1x125x128xf32> to vector<125x128xf32>
    %concatenate3A_235 = tpu.concatenate %get3A_229, %get3A_234 in 1 : vector<125x128xf32>, vector<125x128xf32> -> vector<125x256xf32>
    %get3A_236 = arith.constant 8 : index
    %get3A_237 = arith.constant 0 : index
    %get3A_238 = arith.constant 0 : index
    %get3A_239 = vector.load %arg2[%get3A_236, %get3A_237, %get3A_238] : memref<25x200x125xbf16, #tpu.memory_space<vmem>>, vector<1x200x125xbf16>
    %get3A_240 = vector.shape_cast %get3A_239 : vector<1x200x125xbf16> to vector<200x125xbf16>
    %convert_element_type3A_241 = arith.truncf %concatenate3A_235 : vector<125x256xf32> to vector<125x256xbf16>
    %dot_general3A_242 = arith.constant dense<0.000000e+00> : vector<200x256xf32>
    %dot_general3A_243 = tpu.matmul %get3A_240, %convert_element_type3A_241, %dot_general3A_242 {dimension_numbers = #tpu.dot_dimension_numbers<[1], [0], [0], [1], [0, 0, 1, 1], [], []>, transpose_lhs_hint = false} : vector<200x125xbf16>, vector<125x256xbf16>, vector<200x256xf32> -> vector<200x256xf32>
    %reshape3A_244 = vector.shape_cast %dot_general3A_243 : vector<200x256xf32> to vector<5x5x8x256xf32>
    %slice3A_245 = vector.extract_strided_slice %reshape3A_244 {offsets = [0, 0, 0, 0], sizes = [5, 5, 5, 256], strides = [1, 1, 1, 1]} : vector<5x5x8x256xf32> to vector<5x5x5x256xf32>
    %swap3A_246 = arith.constant 0 : index
    %swap3A_247 = arith.constant 40 : index
    %swap3A_248 = arith.constant 0 : index
    %swap3A_249 = arith.constant 0 : index
    %swap3A_250 = arith.constant 0 : index
    %swap3A_251 = vector.load %arg3[%swap3A_246, %swap3A_247, %swap3A_248, %swap3A_249, %swap3A_250] : memref<1x125x5x5x256xf32, #tpu.memory_space<vmem>>, vector<1x5x5x5x256xf32>
    %swap3A_252 = vector.shape_cast %swap3A_251 : vector<1x5x5x5x256xf32> to vector<5x5x5x256xf32>
    %swap3A_253 = vector.shape_cast %slice3A_245 : vector<5x5x5x256xf32> to vector<1x5x5x5x256xf32>
    tpu.vector_store %arg3[%swap3A_246, %swap3A_247, %swap3A_248, %swap3A_249, %swap3A_250], %swap3A_253 {strides = array<i32>} : memref<1x125x5x5x256xf32, #tpu.memory_space<vmem>>, vector<1x5x5x5x256xf32>,
    %get3A_254 = arith.constant 18 : index
    %get3A_255 = arith.constant 0 : index
    %get3A_256 = arith.constant 0 : index
    %get3A_257 = vector.load %arg1[%get3A_254, %get3A_255, %get3A_256] : memref<50x128x128xf32, #tpu.memory_space<vmem>>, vector<1x125x128xf32>
    %get3A_258 = vector.shape_cast %get3A_257 : vector<1x125x128xf32> to vector<125x128xf32>
    %get3A_259 = arith.constant 19 : index
    %get3A_260 = arith.constant 0 : index
    %get3A_261 = arith.constant 0 : index
    %get3A_262 = vector.load %arg1[%get3A_259, %get3A_260, %get3A_261] : memref<50x128x128xf32, #tpu.memory_space<vmem>>, vector<1x125x128xf32>
    %get3A_263 = vector.shape_cast %get3A_262 : vector<1x125x128xf32> to vector<125x128xf32>
    %concatenate3A_264 = tpu.concatenate %get3A_258, %get3A_263 in 1 : vector<125x128xf32>, vector<125x128xf32> -> vector<125x256xf32>
    %get3A_265 = arith.constant 9 : index
    %get3A_266 = arith.constant 0 : index
    %get3A_267 = arith.constant 0 : index
    %get3A_268 = vector.load %arg2[%get3A_265, %get3A_266, %get3A_267] : memref<25x200x125xbf16, #tpu.memory_space<vmem>>, vector<1x200x125xbf16>
    %get3A_269 = vector.shape_cast %get3A_268 : vector<1x200x125xbf16> to vector<200x125xbf16>
    %convert_element_type3A_270 = arith.truncf %concatenate3A_264 : vector<125x256xf32> to vector<125x256xbf16>
    %dot_general3A_271 = arith.constant dense<0.000000e+00> : vector<200x256xf32>
    %dot_general3A_272 = tpu.matmul %get3A_269, %convert_element_type3A_270, %dot_general3A_271 {dimension_numbers = #tpu.dot_dimension_numbers<[1], [0], [0], [1], [0, 0, 1, 1], [], []>, transpose_lhs_hint = false} : vector<200x125xbf16>, vector<125x256xbf16>, vector<200x256xf32> -> vector<200x256xf32>
    %reshape3A_273 = vector.shape_cast %dot_general3A_272 : vector<200x256xf32> to vector<5x5x8x256xf32>
    %slice3A_274 = vector.extract_strided_slice %reshape3A_273 {offsets = [0, 0, 0, 0], sizes = [5, 5, 5, 256], strides = [1, 1, 1, 1]} : vector<5x5x8x256xf32> to vector<5x5x5x256xf32>
    %swap3A_275 = arith.constant 0 : index
    %swap3A_276 = arith.constant 45 : index
    %swap3A_277 = arith.constant 0 : index
    %swap3A_278 = arith.constant 0 : index
    %swap3A_279 = arith.constant 0 : index
    %swap3A_280 = vector.load %arg3[%swap3A_275, %swap3A_276, %swap3A_277, %swap3A_278, %swap3A_279] : memref<1x125x5x5x256xf32, #tpu.memory_space<vmem>>, vector<1x5x5x5x256xf32>
    %swap3A_281 = vector.shape_cast %swap3A_280 : vector<1x5x5x5x256xf32> to vector<5x5x5x256xf32>
    %swap3A_282 = vector.shape_cast %slice3A_274 : vector<5x5x5x256xf32> to vector<1x5x5x5x256xf32>
    tpu.vector_store %arg3[%swap3A_275, %swap3A_276, %swap3A_277, %swap3A_278, %swap3A_279], %swap3A_282 {strides = array<i32>} : memref<1x125x5x5x256xf32, #tpu.memory_space<vmem>>, vector<1x5x5x5x256xf32>,
    %get3A_283 = arith.constant 20 : index
    %get3A_284 = arith.constant 0 : index
    %get3A_285 = arith.constant 0 : index
    %get3A_286 = vector.load %arg1[%get3A_283, %get3A_284, %get3A_285] : memref<50x128x128xf32, #tpu.memory_space<vmem>>, vector<1x125x128xf32>
    %get3A_287 = vector.shape_cast %get3A_286 : vector<1x125x128xf32> to vector<125x128xf32>
    %get3A_288 = arith.constant 21 : index
    %get3A_289 = arith.constant 0 : index
    %get3A_290 = arith.constant 0 : index
    %get3A_291 = vector.load %arg1[%get3A_288, %get3A_289, %get3A_290] : memref<50x128x128xf32, #tpu.memory_space<vmem>>, vector<1x125x128xf32>
    %get3A_292 = vector.shape_cast %get3A_291 : vector<1x125x128xf32> to vector<125x128xf32>
    %concatenate3A_293 = tpu.concatenate %get3A_287, %get3A_292 in 1 : vector<125x128xf32>, vector<125x128xf32> -> vector<125x256xf32>
    %get3A_294 = arith.constant 10 : index
    %get3A_295 = arith.constant 0 : index
    %get3A_296 = arith.constant 0 : index
    %get3A_297 = vector.load %arg2[%get3A_294, %get3A_295, %get3A_296] : memref<25x200x125xbf16, #tpu.memory_space<vmem>>, vector<1x200x125xbf16>
    %get3A_298 = vector.shape_cast %get3A_297 : vector<1x200x125xbf16> to vector<200x125xbf16>
    %convert_element_type3A_299 = arith.truncf %concatenate3A_293 : vector<125x256xf32> to vector<125x256xbf16>
    %dot_general3A_300 = arith.constant dense<0.000000e+00> : vector<200x256xf32>
    %dot_general3A_301 = tpu.matmul %get3A_298, %convert_element_type3A_299, %dot_general3A_300 {dimension_numbers = #tpu.dot_dimension_numbers<[1], [0], [0], [1], [0, 0, 1, 1], [], []>, transpose_lhs_hint = false} : vector<200x125xbf16>, vector<125x256xbf16>, vector<200x256xf32> -> vector<200x256xf32>
    %reshape3A_302 = vector.shape_cast %dot_general3A_301 : vector<200x256xf32> to vector<5x5x8x256xf32>
    %slice3A_303 = vector.extract_strided_slice %reshape3A_302 {offsets = [0, 0, 0, 0], sizes = [5, 5, 5, 256], strides = [1, 1, 1, 1]} : vector<5x5x8x256xf32> to vector<5x5x5x256xf32>
    %swap3A_304 = arith.constant 0 : index
    %swap3A_305 = arith.constant 50 : index
    %swap3A_306 = arith.constant 0 : index
    %swap3A_307 = arith.constant 0 : index
    %swap3A_308 = arith.constant 0 : index
    %swap3A_309 = vector.load %arg3[%swap3A_304, %swap3A_305, %swap3A_306, %swap3A_307, %swap3A_308] : memref<1x125x5x5x256xf32, #tpu.memory_space<vmem>>, vector<1x5x5x5x256xf32>
    %swap3A_310 = vector.shape_cast %swap3A_309 : vector<1x5x5x5x256xf32> to vector<5x5x5x256xf32>
    %swap3A_311 = vector.shape_cast %slice3A_303 : vector<5x5x5x256xf32> to vector<1x5x5x5x256xf32>
    tpu.vector_store %arg3[%swap3A_304, %swap3A_305, %swap3A_306, %swap3A_307, %swap3A_308], %swap3A_311 {strides = array<i32>} : memref<1x125x5x5x256xf32, #tpu.memory_space<vmem>>, vector<1x5x5x5x256xf32>,
    %get3A_312 = arith.constant 22 : index
    %get3A_313 = arith.constant 0 : index
    %get3A_314 = arith.constant 0 : index
    %get3A_315 = vector.load %arg1[%get3A_312, %get3A_313, %get3A_314] : memref<50x128x128xf32, #tpu.memory_space<vmem>>, vector<1x125x128xf32>
    %get3A_316 = vector.shape_cast %get3A_315 : vector<1x125x128xf32> to vector<125x128xf32>
    %get3A_317 = arith.constant 23 : index
    %get3A_318 = arith.constant 0 : index
    %get3A_319 = arith.constant 0 : index
    %get3A_320 = vector.load %arg1[%get3A_317, %get3A_318, %get3A_319] : memref<50x128x128xf32, #tpu.memory_space<vmem>>, vector<1x125x128xf32>
    %get3A_321 = vector.shape_cast %get3A_320 : vector<1x125x128xf32> to vector<125x128xf32>
    %concatenate3A_322 = tpu.concatenate %get3A_316, %get3A_321 in 1 : vector<125x128xf32>, vector<125x128xf32> -> vector<125x256xf32>
    %get3A_323 = arith.constant 11 : index
    %get3A_324 = arith.constant 0 : index
    %get3A_325 = arith.constant 0 : index
    %get3A_326 = vector.load %arg2[%get3A_323, %get3A_324, %get3A_325] : memref<25x200x125xbf16, #tpu.memory_space<vmem>>, vector<1x200x125xbf16>
    %get3A_327 = vector.shape_cast %get3A_326 : vector<1x200x125xbf16> to vector<200x125xbf16>
    %convert_element_type3A_328 = arith.truncf %concatenate3A_322 : vector<125x256xf32> to vector<125x256xbf16>
    %dot_general3A_329 = arith.constant dense<0.000000e+00> : vector<200x256xf32>
    %dot_general3A_330 = tpu.matmul %get3A_327, %convert_element_type3A_328, %dot_general3A_329 {dimension_numbers = #tpu.dot_dimension_numbers<[1], [0], [0], [1], [0, 0, 1, 1], [], []>, transpose_lhs_hint = false} : vector<200x125xbf16>, vector<125x256xbf16>, vector<200x256xf32> -> vector<200x256xf32>
    %reshape3A_331 = vector.shape_cast %dot_general3A_330 : vector<200x256xf32> to vector<5x5x8x256xf32>
    %slice3A_332 = vector.extract_strided_slice %reshape3A_331 {offsets = [0, 0, 0, 0], sizes = [5, 5, 5, 256], strides = [1, 1, 1, 1]} : vector<5x5x8x256xf32> to vector<5x5x5x256xf32>
    %swap3A_333 = arith.constant 0 : index
    %swap3A_334 = arith.constant 55 : index
    %swap3A_335 = arith.constant 0 : index
    %swap3A_336 = arith.constant 0 : index
    %swap3A_337 = arith.constant 0 : index
    %swap3A_338 = vector.load %arg3[%swap3A_333, %swap3A_334, %swap3A_335, %swap3A_336, %swap3A_337] : memref<1x125x5x5x256xf32, #tpu.memory_space<vmem>>, vector<1x5x5x5x256xf32>
    %swap3A_339 = vector.shape_cast %swap3A_338 : vector<1x5x5x5x256xf32> to vector<5x5x5x256xf32>
    %swap3A_340 = vector.shape_cast %slice3A_332 : vector<5x5x5x256xf32> to vector<1x5x5x5x256xf32>
    tpu.vector_store %arg3[%swap3A_333, %swap3A_334, %swap3A_335, %swap3A_336, %swap3A_337], %swap3A_340 {strides = array<i32>} : memref<1x125x5x5x256xf32, #tpu.memory_space<vmem>>, vector<1x5x5x5x256xf32>,
    %get3A_341 = arith.constant 24 : index
    %get3A_342 = arith.constant 0 : index
    %get3A_343 = arith.constant 0 : index
    %get3A_344 = vector.load %arg1[%get3A_341, %get3A_342, %get3A_343] : memref<50x128x128xf32, #tpu.memory_space<vmem>>, vector<1x125x128xf32>
    %get3A_345 = vector.shape_cast %get3A_344 : vector<1x125x128xf32> to vector<125x128xf32>
    %get3A_346 = arith.constant 25 : index
    %get3A_347 = arith.constant 0 : index
    %get3A_348 = arith.constant 0 : index
    %get3A_349 = vector.load %arg1[%get3A_346, %get3A_347, %get3A_348] : memref<50x128x128xf32, #tpu.memory_space<vmem>>, vector<1x125x128xf32>
    %get3A_350 = vector.shape_cast %get3A_349 : vector<1x125x128xf32> to vector<125x128xf32>
    %concatenate3A_351 = tpu.concatenate %get3A_345, %get3A_350 in 1 : vector<125x128xf32>, vector<125x128xf32> -> vector<125x256xf32>
    %get3A_352 = arith.constant 12 : index
    %get3A_353 = arith.constant 0 : index
    %get3A_354 = arith.constant 0 : index
    %get3A_355 = vector.load %arg2[%get3A_352, %get3A_353, %get3A_354] : memref<25x200x125xbf16, #tpu.memory_space<vmem>>, vector<1x200x125xbf16>
    %get3A_356 = vector.shape_cast %get3A_355 : vector<1x200x125xbf16> to vector<200x125xbf16>
    %convert_element_type3A_357 = arith.truncf %concatenate3A_351 : vector<125x256xf32> to vector<125x256xbf16>
    %dot_general3A_358 = arith.constant dense<0.000000e+00> : vector<200x256xf32>
    %dot_general3A_359 = tpu.matmul %get3A_356, %convert_element_type3A_357, %dot_general3A_358 {dimension_numbers = #tpu.dot_dimension_numbers<[1], [0], [0], [1], [0, 0, 1, 1], [], []>, transpose_lhs_hint = false} : vector<200x125xbf16>, vector<125x256xbf16>, vector<200x256xf32> -> vector<200x256xf32>
    %reshape3A_360 = vector.shape_cast %dot_general3A_359 : vector<200x256xf32> to vector<5x5x8x256xf32>
    %slice3A_361 = vector.extract_strided_slice %reshape3A_360 {offsets = [0, 0, 0, 0], sizes = [5, 5, 5, 256], strides = [1, 1, 1, 1]} : vector<5x5x8x256xf32> to vector<5x5x5x256xf32>
    %swap3A_362 = arith.constant 0 : index
    %swap3A_363 = arith.constant 60 : index
    %swap3A_364 = arith.constant 0 : index
    %swap3A_365 = arith.constant 0 : index
    %swap3A_366 = arith.constant 0 : index
    %swap3A_367 = vector.load %arg3[%swap3A_362, %swap3A_363, %swap3A_364, %swap3A_365, %swap3A_366] : memref<1x125x5x5x256xf32, #tpu.memory_space<vmem>>, vector<1x5x5x5x256xf32>
    %swap3A_368 = vector.shape_cast %swap3A_367 : vector<1x5x5x5x256xf32> to vector<5x5x5x256xf32>
    %swap3A_369 = vector.shape_cast %slice3A_361 : vector<5x5x5x256xf32> to vector<1x5x5x5x256xf32>
    tpu.vector_store %arg3[%swap3A_362, %swap3A_363, %swap3A_364, %swap3A_365, %swap3A_366], %swap3A_369 {strides = array<i32>} : memref<1x125x5x5x256xf32, #tpu.memory_space<vmem>>, vector<1x5x5x5x256xf32>,
    %get3A_370 = arith.constant 26 : index
    %get3A_371 = arith.constant 0 : index
    %get3A_372 = arith.constant 0 : index
    %get3A_373 = vector.load %arg1[%get3A_370, %get3A_371, %get3A_372] : memref<50x128x128xf32, #tpu.memory_space<vmem>>, vector<1x125x128xf32>
    %get3A_374 = vector.shape_cast %get3A_373 : vector<1x125x128xf32> to vector<125x128xf32>
    %get3A_375 = arith.constant 27 : index
    %get3A_376 = arith.constant 0 : index
    %get3A_377 = arith.constant 0 : index
    %get3A_378 = vector.load %arg1[%get3A_375, %get3A_376, %get3A_377] : memref<50x128x128xf32, #tpu.memory_space<vmem>>, vector<1x125x128xf32>
    %get3A_379 = vector.shape_cast %get3A_378 : vector<1x125x128xf32> to vector<125x128xf32>
    %concatenate3A_380 = tpu.concatenate %get3A_374, %get3A_379 in 1 : vector<125x128xf32>, vector<125x128xf32> -> vector<125x256xf32>
    %get3A_381 = arith.constant 13 : index
    %get3A_382 = arith.constant 0 : index
    %get3A_383 = arith.constant 0 : index
    %get3A_384 = vector.load %arg2[%get3A_381, %get3A_382, %get3A_383] : memref<25x200x125xbf16, #tpu.memory_space<vmem>>, vector<1x200x125xbf16>
    %get3A_385 = vector.shape_cast %get3A_384 : vector<1x200x125xbf16> to vector<200x125xbf16>
    %convert_element_type3A_386 = arith.truncf %concatenate3A_380 : vector<125x256xf32> to vector<125x256xbf16>
    %dot_general3A_387 = arith.constant dense<0.000000e+00> : vector<200x256xf32>
    %dot_general3A_388 = tpu.matmul %get3A_385, %convert_element_type3A_386, %dot_general3A_387 {dimension_numbers = #tpu.dot_dimension_numbers<[1], [0], [0], [1], [0, 0, 1, 1], [], []>, transpose_lhs_hint = false} : vector<200x125xbf16>, vector<125x256xbf16>, vector<200x256xf32> -> vector<200x256xf32>
    %reshape3A_389 = vector.shape_cast %dot_general3A_388 : vector<200x256xf32> to vector<5x5x8x256xf32>
    %slice3A_390 = vector.extract_strided_slice %reshape3A_389 {offsets = [0, 0, 0, 0], sizes = [5, 5, 5, 256], strides = [1, 1, 1, 1]} : vector<5x5x8x256xf32> to vector<5x5x5x256xf32>
    %swap3A_391 = arith.constant 0 : index
    %swap3A_392 = arith.constant 65 : index
    %swap3A_393 = arith.constant 0 : index
    %swap3A_394 = arith.constant 0 : index
    %swap3A_395 = arith.constant 0 : index
    %swap3A_396 = vector.load %arg3[%swap3A_391, %swap3A_392, %swap3A_393, %swap3A_394, %swap3A_395] : memref<1x125x5x5x256xf32, #tpu.memory_space<vmem>>, vector<1x5x5x5x256xf32>
    %swap3A_397 = vector.shape_cast %swap3A_396 : vector<1x5x5x5x256xf32> to vector<5x5x5x256xf32>
    %swap3A_398 = vector.shape_cast %slice3A_390 : vector<5x5x5x256xf32> to vector<1x5x5x5x256xf32>
    tpu.vector_store %arg3[%swap3A_391, %swap3A_392, %swap3A_393, %swap3A_394, %swap3A_395], %swap3A_398 {strides = array<i32>} : memref<1x125x5x5x256xf32, #tpu.memory_space<vmem>>, vector<1x5x5x5x256xf32>,
    %get3A_399 = arith.constant 28 : index
    %get3A_400 = arith.constant 0 : index
    %get3A_401 = arith.constant 0 : index
    %get3A_402 = vector.load %arg1[%get3A_399, %get3A_400, %get3A_401] : memref<50x128x128xf32, #tpu.memory_space<vmem>>, vector<1x125x128xf32>
    %get3A_403 = vector.shape_cast %get3A_402 : vector<1x125x128xf32> to vector<125x128xf32>
    %get3A_404 = arith.constant 29 : index
    %get3A_405 = arith.constant 0 : index
    %get3A_406 = arith.constant 0 : index
    %get3A_407 = vector.load %arg1[%get3A_404, %get3A_405, %get3A_406] : memref<50x128x128xf32, #tpu.memory_space<vmem>>, vector<1x125x128xf32>
    %get3A_408 = vector.shape_cast %get3A_407 : vector<1x125x128xf32> to vector<125x128xf32>
    %concatenate3A_409 = tpu.concatenate %get3A_403, %get3A_408 in 1 : vector<125x128xf32>, vector<125x128xf32> -> vector<125x256xf32>
    %get3A_410 = arith.constant 14 : index
    %get3A_411 = arith.constant 0 : index
    %get3A_412 = arith.constant 0 : index
    %get3A_413 = vector.load %arg2[%get3A_410, %get3A_411, %get3A_412] : memref<25x200x125xbf16, #tpu.memory_space<vmem>>, vector<1x200x125xbf16>
    %get3A_414 = vector.shape_cast %get3A_413 : vector<1x200x125xbf16> to vector<200x125xbf16>
    %convert_element_type3A_415 = arith.truncf %concatenate3A_409 : vector<125x256xf32> to vector<125x256xbf16>
    %dot_general3A_416 = arith.constant dense<0.000000e+00> : vector<200x256xf32>
    %dot_general3A_417 = tpu.matmul %get3A_414, %convert_element_type3A_415, %dot_general3A_416 {dimension_numbers = #tpu.dot_dimension_numbers<[1], [0], [0], [1], [0, 0, 1, 1], [], []>, transpose_lhs_hint = false} : vector<200x125xbf16>, vector<125x256xbf16>, vector<200x256xf32> -> vector<200x256xf32>
    %reshape3A_418 = vector.shape_cast %dot_general3A_417 : vector<200x256xf32> to vector<5x5x8x256xf32>
    %slice3A_419 = vector.extract_strided_slice %reshape3A_418 {offsets = [0, 0, 0, 0], sizes = [5, 5, 5, 256], strides = [1, 1, 1, 1]} : vector<5x5x8x256xf32> to vector<5x5x5x256xf32>
    %swap3A_420 = arith.constant 0 : index
    %swap3A_421 = arith.constant 70 : index
    %swap3A_422 = arith.constant 0 : index
    %swap3A_423 = arith.constant 0 : index
    %swap3A_424 = arith.constant 0 : index
    %swap3A_425 = vector.load %arg3[%swap3A_420, %swap3A_421, %swap3A_422, %swap3A_423, %swap3A_424] : memref<1x125x5x5x256xf32, #tpu.memory_space<vmem>>, vector<1x5x5x5x256xf32>
    %swap3A_426 = vector.shape_cast %swap3A_425 : vector<1x5x5x5x256xf32> to vector<5x5x5x256xf32>
    %swap3A_427 = vector.shape_cast %slice3A_419 : vector<5x5x5x256xf32> to vector<1x5x5x5x256xf32>
    tpu.vector_store %arg3[%swap3A_420, %swap3A_421, %swap3A_422, %swap3A_423, %swap3A_424], %swap3A_427 {strides = array<i32>} : memref<1x125x5x5x256xf32, #tpu.memory_space<vmem>>, vector<1x5x5x5x256xf32>,
    %get3A_428 = arith.constant 30 : index
    %get3A_429 = arith.constant 0 : index
    %get3A_430 = arith.constant 0 : index
    %get3A_431 = vector.load %arg1[%get3A_428, %get3A_429, %get3A_430] : memref<50x128x128xf32, #tpu.memory_space<vmem>>, vector<1x125x128xf32>
    %get3A_432 = vector.shape_cast %get3A_431 : vector<1x125x128xf32> to vector<125x128xf32>
    %get3A_433 = arith.constant 31 : index
    %get3A_434 = arith.constant 0 : index
    %get3A_435 = arith.constant 0 : index
    %get3A_436 = vector.load %arg1[%get3A_433, %get3A_434, %get3A_435] : memref<50x128x128xf32, #tpu.memory_space<vmem>>, vector<1x125x128xf32>
    %get3A_437 = vector.shape_cast %get3A_436 : vector<1x125x128xf32> to vector<125x128xf32>
    %concatenate3A_438 = tpu.concatenate %get3A_432, %get3A_437 in 1 : vector<125x128xf32>, vector<125x128xf32> -> vector<125x256xf32>
    %get3A_439 = arith.constant 15 : index
    %get3A_440 = arith.constant 0 : index
    %get3A_441 = arith.constant 0 : index
    %get3A_442 = vector.load %arg2[%get3A_439, %get3A_440, %get3A_441] : memref<25x200x125xbf16, #tpu.memory_space<vmem>>, vector<1x200x125xbf16>
    %get3A_443 = vector.shape_cast %get3A_442 : vector<1x200x125xbf16> to vector<200x125xbf16>
    %convert_element_type3A_444 = arith.truncf %concatenate3A_438 : vector<125x256xf32> to vector<125x256xbf16>
    %dot_general3A_445 = arith.constant dense<0.000000e+00> : vector<200x256xf32>
    %dot_general3A_446 = tpu.matmul %get3A_443, %convert_element_type3A_444, %dot_general3A_445 {dimension_numbers = #tpu.dot_dimension_numbers<[1], [0], [0], [1], [0, 0, 1, 1], [], []>, transpose_lhs_hint = false} : vector<200x125xbf16>, vector<125x256xbf16>, vector<200x256xf32> -> vector<200x256xf32>
    %reshape3A_447 = vector.shape_cast %dot_general3A_446 : vector<200x256xf32> to vector<5x5x8x256xf32>
    %slice3A_448 = vector.extract_strided_slice %reshape3A_447 {offsets = [0, 0, 0, 0], sizes = [5, 5, 5, 256], strides = [1, 1, 1, 1]} : vector<5x5x8x256xf32> to vector<5x5x5x256xf32>
    %swap3A_449 = arith.constant 0 : index
    %swap3A_450 = arith.constant 75 : index
    %swap3A_451 = arith.constant 0 : index
    %swap3A_452 = arith.constant 0 : index
    %swap3A_453 = arith.constant 0 : index
    %swap3A_454 = vector.load %arg3[%swap3A_449, %swap3A_450, %swap3A_451, %swap3A_452, %swap3A_453] : memref<1x125x5x5x256xf32, #tpu.memory_space<vmem>>, vector<1x5x5x5x256xf32>
    %swap3A_455 = vector.shape_cast %swap3A_454 : vector<1x5x5x5x256xf32> to vector<5x5x5x256xf32>
    %swap3A_456 = vector.shape_cast %slice3A_448 : vector<5x5x5x256xf32> to vector<1x5x5x5x256xf32>
    tpu.vector_store %arg3[%swap3A_449, %swap3A_450, %swap3A_451, %swap3A_452, %swap3A_453], %swap3A_456 {strides = array<i32>} : memref<1x125x5x5x256xf32, #tpu.memory_space<vmem>>, vector<1x5x5x5x256xf32>,
    %get3A_457 = arith.constant 32 : index
    %get3A_458 = arith.constant 0 : index
    %get3A_459 = arith.constant 0 : index
    %get3A_460 = vector.load %arg1[%get3A_457, %get3A_458, %get3A_459] : memref<50x128x128xf32, #tpu.memory_space<vmem>>, vector<1x125x128xf32>
    %get3A_461 = vector.shape_cast %get3A_460 : vector<1x125x128xf32> to vector<125x128xf32>
    %get3A_462 = arith.constant 33 : index
    %get3A_463 = arith.constant 0 : index
    %get3A_464 = arith.constant 0 : index
    %get3A_465 = vector.load %arg1[%get3A_462, %get3A_463, %get3A_464] : memref<50x128x128xf32, #tpu.memory_space<vmem>>, vector<1x125x128xf32>
    %get3A_466 = vector.shape_cast %get3A_465 : vector<1x125x128xf32> to vector<125x128xf32>
    %concatenate3A_467 = tpu.concatenate %get3A_461, %get3A_466 in 1 : vector<125x128xf32>, vector<125x128xf32> -> vector<125x256xf32>
    %get3A_468 = arith.constant 16 : index
    %get3A_469 = arith.constant 0 : index
    %get3A_470 = arith.constant 0 : index
    %get3A_471 = vector.load %arg2[%get3A_468, %get3A_469, %get3A_470] : memref<25x200x125xbf16, #tpu.memory_space<vmem>>, vector<1x200x125xbf16>
    %get3A_472 = vector.shape_cast %get3A_471 : vector<1x200x125xbf16> to vector<200x125xbf16>
    %convert_element_type3A_473 = arith.truncf %concatenate3A_467 : vector<125x256xf32> to vector<125x256xbf16>
    %dot_general3A_474 = arith.constant dense<0.000000e+00> : vector<200x256xf32>
    %dot_general3A_475 = tpu.matmul %get3A_472, %convert_element_type3A_473, %dot_general3A_474 {dimension_numbers = #tpu.dot_dimension_numbers<[1], [0], [0], [1], [0, 0, 1, 1], [], []>, transpose_lhs_hint = false} : vector<200x125xbf16>, vector<125x256xbf16>, vector<200x256xf32> -> vector<200x256xf32>
    %reshape3A_476 = vector.shape_cast %dot_general3A_475 : vector<200x256xf32> to vector<5x5x8x256xf32>
    %slice3A_477 = vector.extract_strided_slice %reshape3A_476 {offsets = [0, 0, 0, 0], sizes = [5, 5, 5, 256], strides = [1, 1, 1, 1]} : vector<5x5x8x256xf32> to vector<5x5x5x256xf32>
    %swap3A_478 = arith.constant 0 : index
    %swap3A_479 = arith.constant 80 : index
    %swap3A_480 = arith.constant 0 : index
    %swap3A_481 = arith.constant 0 : index
    %swap3A_482 = arith.constant 0 : index
    %swap3A_483 = vector.load %arg3[%swap3A_478, %swap3A_479, %swap3A_480, %swap3A_481, %swap3A_482] : memref<1x125x5x5x256xf32, #tpu.memory_space<vmem>>, vector<1x5x5x5x256xf32>
    %swap3A_484 = vector.shape_cast %swap3A_483 : vector<1x5x5x5x256xf32> to vector<5x5x5x256xf32>
    %swap3A_485 = vector.shape_cast %slice3A_477 : vector<5x5x5x256xf32> to vector<1x5x5x5x256xf32>
    tpu.vector_store %arg3[%swap3A_478, %swap3A_479, %swap3A_480, %swap3A_481, %swap3A_482], %swap3A_485 {strides = array<i32>} : memref<1x125x5x5x256xf32, #tpu.memory_space<vmem>>, vector<1x5x5x5x256xf32>,
    %get3A_486 = arith.constant 34 : index
    %get3A_487 = arith.constant 0 : index
    %get3A_488 = arith.constant 0 : index
    %get3A_489 = vector.load %arg1[%get3A_486, %get3A_487, %get3A_488] : memref<50x128x128xf32, #tpu.memory_space<vmem>>, vector<1x125x128xf32>
    %get3A_490 = vector.shape_cast %get3A_489 : vector<1x125x128xf32> to vector<125x128xf32>
    %get3A_491 = arith.constant 35 : index
    %get3A_492 = arith.constant 0 : index
    %get3A_493 = arith.constant 0 : index
    %get3A_494 = vector.load %arg1[%get3A_491, %get3A_492, %get3A_493] : memref<50x128x128xf32, #tpu.memory_space<vmem>>, vector<1x125x128xf32>
    %get3A_495 = vector.shape_cast %get3A_494 : vector<1x125x128xf32> to vector<125x128xf32>
    %concatenate3A_496 = tpu.concatenate %get3A_490, %get3A_495 in 1 : vector<125x128xf32>, vector<125x128xf32> -> vector<125x256xf32>
    %get3A_497 = arith.constant 17 : index
    %get3A_498 = arith.constant 0 : index
    %get3A_499 = arith.constant 0 : index
    %get3A_500 = vector.load %arg2[%get3A_497, %get3A_498, %get3A_499] : memref<25x200x125xbf16, #tpu.memory_space<vmem>>, vector<1x200x125xbf16>
    %get3A_501 = vector.shape_cast %get3A_500 : vector<1x200x125xbf16> to vector<200x125xbf16>
    %convert_element_type3A_502 = arith.truncf %concatenate3A_496 : vector<125x256xf32> to vector<125x256xbf16>
    %dot_general3A_503 = arith.constant dense<0.000000e+00> : vector<200x256xf32>
    %dot_general3A_504 = tpu.matmul %get3A_501, %convert_element_type3A_502, %dot_general3A_503 {dimension_numbers = #tpu.dot_dimension_numbers<[1], [0], [0], [1], [0, 0, 1, 1], [], []>, transpose_lhs_hint = false} : vector<200x125xbf16>, vector<125x256xbf16>, vector<200x256xf32> -> vector<200x256xf32>
    %reshape3A_505 = vector.shape_cast %dot_general3A_504 : vector<200x256xf32> to vector<5x5x8x256xf32>
    %slice3A_506 = vector.extract_strided_slice %reshape3A_505 {offsets = [0, 0, 0, 0], sizes = [5, 5, 5, 256], strides = [1, 1, 1, 1]} : vector<5x5x8x256xf32> to vector<5x5x5x256xf32>
    %swap3A_507 = arith.constant 0 : index
    %swap3A_508 = arith.constant 85 : index
    %swap3A_509 = arith.constant 0 : index
    %swap3A_510 = arith.constant 0 : index
    %swap3A_511 = arith.constant 0 : index
    %swap3A_512 = vector.load %arg3[%swap3A_507, %swap3A_508, %swap3A_509, %swap3A_510, %swap3A_511] : memref<1x125x5x5x256xf32, #tpu.memory_space<vmem>>, vector<1x5x5x5x256xf32>
    %swap3A_513 = vector.shape_cast %swap3A_512 : vector<1x5x5x5x256xf32> to vector<5x5x5x256xf32>
    %swap3A_514 = vector.shape_cast %slice3A_506 : vector<5x5x5x256xf32> to vector<1x5x5x5x256xf32>
    tpu.vector_store %arg3[%swap3A_507, %swap3A_508, %swap3A_509, %swap3A_510, %swap3A_511], %swap3A_514 {strides = array<i32>} : memref<1x125x5x5x256xf32, #tpu.memory_space<vmem>>, vector<1x5x5x5x256xf32>,
    %get3A_515 = arith.constant 36 : index
    %get3A_516 = arith.constant 0 : index
    %get3A_517 = arith.constant 0 : index
    %get3A_518 = vector.load %arg1[%get3A_515, %get3A_516, %get3A_517] : memref<50x128x128xf32, #tpu.memory_space<vmem>>, vector<1x125x128xf32>
    %get3A_519 = vector.shape_cast %get3A_518 : vector<1x125x128xf32> to vector<125x128xf32>
    %get3A_520 = arith.constant 37 : index
    %get3A_521 = arith.constant 0 : index
    %get3A_522 = arith.constant 0 : index
    %get3A_523 = vector.load %arg1[%get3A_520, %get3A_521, %get3A_522] : memref<50x128x128xf32, #tpu.memory_space<vmem>>, vector<1x125x128xf32>
    %get3A_524 = vector.shape_cast %get3A_523 : vector<1x125x128xf32> to vector<125x128xf32>
    %concatenate3A_525 = tpu.concatenate %get3A_519, %get3A_524 in 1 : vector<125x128xf32>, vector<125x128xf32> -> vector<125x256xf32>
    %get3A_526 = arith.constant 18 : index
    %get3A_527 = arith.constant 0 : index
    %get3A_528 = arith.constant 0 : index
    %get3A_529 = vector.load %arg2[%get3A_526, %get3A_527, %get3A_528] : memref<25x200x125xbf16, #tpu.memory_space<vmem>>, vector<1x200x125xbf16>
    %get3A_530 = vector.shape_cast %get3A_529 : vector<1x200x125xbf16> to vector<200x125xbf16>
    %convert_element_type3A_531 = arith.truncf %concatenate3A_525 : vector<125x256xf32> to vector<125x256xbf16>
    %dot_general3A_532 = arith.constant dense<0.000000e+00> : vector<200x256xf32>
    %dot_general3A_533 = tpu.matmul %get3A_530, %convert_element_type3A_531, %dot_general3A_532 {dimension_numbers = #tpu.dot_dimension_numbers<[1], [0], [0], [1], [0, 0, 1, 1], [], []>, transpose_lhs_hint = false} : vector<200x125xbf16>, vector<125x256xbf16>, vector<200x256xf32> -> vector<200x256xf32>
    %reshape3A_534 = vector.shape_cast %dot_general3A_533 : vector<200x256xf32> to vector<5x5x8x256xf32>
    %slice3A_535 = vector.extract_strided_slice %reshape3A_534 {offsets = [0, 0, 0, 0], sizes = [5, 5, 5, 256], strides = [1, 1, 1, 1]} : vector<5x5x8x256xf32> to vector<5x5x5x256xf32>
    %swap3A_536 = arith.constant 0 : index
    %swap3A_537 = arith.constant 90 : index
    %swap3A_538 = arith.constant 0 : index
    %swap3A_539 = arith.constant 0 : index
    %swap3A_540 = arith.constant 0 : index
    %swap3A_541 = vector.load %arg3[%swap3A_536, %swap3A_537, %swap3A_538, %swap3A_539, %swap3A_540] : memref<1x125x5x5x256xf32, #tpu.memory_space<vmem>>, vector<1x5x5x5x256xf32>
    %swap3A_542 = vector.shape_cast %swap3A_541 : vector<1x5x5x5x256xf32> to vector<5x5x5x256xf32>
    %swap3A_543 = vector.shape_cast %slice3A_535 : vector<5x5x5x256xf32> to vector<1x5x5x5x256xf32>
    tpu.vector_store %arg3[%swap3A_536, %swap3A_537, %swap3A_538, %swap3A_539, %swap3A_540], %swap3A_543 {strides = array<i32>} : memref<1x125x5x5x256xf32, #tpu.memory_space<vmem>>, vector<1x5x5x5x256xf32>,
    %get3A_544 = arith.constant 38 : index
    %get3A_545 = arith.constant 0 : index
    %get3A_546 = arith.constant 0 : index
    %get3A_547 = vector.load %arg1[%get3A_544, %get3A_545, %get3A_546] : memref<50x128x128xf32, #tpu.memory_space<vmem>>, vector<1x125x128xf32>
    %get3A_548 = vector.shape_cast %get3A_547 : vector<1x125x128xf32> to vector<125x128xf32>
    %get3A_549 = arith.constant 39 : index
    %get3A_550 = arith.constant 0 : index
    %get3A_551 = arith.constant 0 : index
    %get3A_552 = vector.load %arg1[%get3A_549, %get3A_550, %get3A_551] : memref<50x128x128xf32, #tpu.memory_space<vmem>>, vector<1x125x128xf32>
    %get3A_553 = vector.shape_cast %get3A_552 : vector<1x125x128xf32> to vector<125x128xf32>
    %concatenate3A_554 = tpu.concatenate %get3A_548, %get3A_553 in 1 : vector<125x128xf32>, vector<125x128xf32> -> vector<125x256xf32>
    %get3A_555 = arith.constant 19 : index
    %get3A_556 = arith.constant 0 : index
    %get3A_557 = arith.constant 0 : index
    %get3A_558 = vector.load %arg2[%get3A_555, %get3A_556, %get3A_557] : memref<25x200x125xbf16, #tpu.memory_space<vmem>>, vector<1x200x125xbf16>
    %get3A_559 = vector.shape_cast %get3A_558 : vector<1x200x125xbf16> to vector<200x125xbf16>
    %convert_element_type3A_560 = arith.truncf %concatenate3A_554 : vector<125x256xf32> to vector<125x256xbf16>
    %dot_general3A_561 = arith.constant dense<0.000000e+00> : vector<200x256xf32>
    %dot_general3A_562 = tpu.matmul %get3A_559, %convert_element_type3A_560, %dot_general3A_561 {dimension_numbers = #tpu.dot_dimension_numbers<[1], [0], [0], [1], [0, 0, 1, 1], [], []>, transpose_lhs_hint = false} : vector<200x125xbf16>, vector<125x256xbf16>, vector<200x256xf32> -> vector<200x256xf32>
    %reshape3A_563 = vector.shape_cast %dot_general3A_562 : vector<200x256xf32> to vector<5x5x8x256xf32>
    %slice3A_564 = vector.extract_strided_slice %reshape3A_563 {offsets = [0, 0, 0, 0], sizes = [5, 5, 5, 256], strides = [1, 1, 1, 1]} : vector<5x5x8x256xf32> to vector<5x5x5x256xf32>
    %swap3A_565 = arith.constant 0 : index
    %swap3A_566 = arith.constant 95 : index
    %swap3A_567 = arith.constant 0 : index
    %swap3A_568 = arith.constant 0 : index
    %swap3A_569 = arith.constant 0 : index
    %swap3A_570 = vector.load %arg3[%swap3A_565, %swap3A_566, %swap3A_567, %swap3A_568, %swap3A_569] : memref<1x125x5x5x256xf32, #tpu.memory_space<vmem>>, vector<1x5x5x5x256xf32>
    %swap3A_571 = vector.shape_cast %swap3A_570 : vector<1x5x5x5x256xf32> to vector<5x5x5x256xf32>
    %swap3A_572 = vector.shape_cast %slice3A_564 : vector<5x5x5x256xf32> to vector<1x5x5x5x256xf32>
    tpu.vector_store %arg3[%swap3A_565, %swap3A_566, %swap3A_567, %swap3A_568, %swap3A_569], %swap3A_572 {strides = array<i32>} : memref<1x125x5x5x256xf32, #tpu.memory_space<vmem>>, vector<1x5x5x5x256xf32>,
    %get3A_573 = arith.constant 40 : index
    %get3A_574 = arith.constant 0 : index
    %get3A_575 = arith.constant 0 : index
    %get3A_576 = vector.load %arg1[%get3A_573, %get3A_574, %get3A_575] : memref<50x128x128xf32, #tpu.memory_space<vmem>>, vector<1x125x128xf32>
    %get3A_577 = vector.shape_cast %get3A_576 : vector<1x125x128xf32> to vector<125x128xf32>
    %get3A_578 = arith.constant 41 : index
    %get3A_579 = arith.constant 0 : index
    %get3A_580 = arith.constant 0 : index
    %get3A_581 = vector.load %arg1[%get3A_578, %get3A_579, %get3A_580] : memref<50x128x128xf32, #tpu.memory_space<vmem>>, vector<1x125x128xf32>
    %get3A_582 = vector.shape_cast %get3A_581 : vector<1x125x128xf32> to vector<125x128xf32>
    %concatenate3A_583 = tpu.concatenate %get3A_577, %get3A_582 in 1 : vector<125x128xf32>, vector<125x128xf32> -> vector<125x256xf32>
    %get3A_584 = arith.constant 20 : index
    %get3A_585 = arith.constant 0 : index
    %get3A_586 = arith.constant 0 : index
    %get3A_587 = vector.load %arg2[%get3A_584, %get3A_585, %get3A_586] : memref<25x200x125xbf16, #tpu.memory_space<vmem>>, vector<1x200x125xbf16>
    %get3A_588 = vector.shape_cast %get3A_587 : vector<1x200x125xbf16> to vector<200x125xbf16>
    %convert_element_type3A_589 = arith.truncf %concatenate3A_583 : vector<125x256xf32> to vector<125x256xbf16>
    %dot_general3A_590 = arith.constant dense<0.000000e+00> : vector<200x256xf32>
    %dot_general3A_591 = tpu.matmul %get3A_588, %convert_element_type3A_589, %dot_general3A_590 {dimension_numbers = #tpu.dot_dimension_numbers<[1], [0], [0], [1], [0, 0, 1, 1], [], []>, transpose_lhs_hint = false} : vector<200x125xbf16>, vector<125x256xbf16>, vector<200x256xf32> -> vector<200x256xf32>
    %reshape3A_592 = vector.shape_cast %dot_general3A_591 : vector<200x256xf32> to vector<5x5x8x256xf32>
    %slice3A_593 = vector.extract_strided_slice %reshape3A_592 {offsets = [0, 0, 0, 0], sizes = [5, 5, 5, 256], strides = [1, 1, 1, 1]} : vector<5x5x8x256xf32> to vector<5x5x5x256xf32>
    %swap3A_594 = arith.constant 0 : index
    %swap3A_595 = arith.constant 100 : index
    %swap3A_596 = arith.constant 0 : index
    %swap3A_597 = arith.constant 0 : index
    %swap3A_598 = arith.constant 0 : index
    %swap3A_599 = vector.load %arg3[%swap3A_594, %swap3A_595, %swap3A_596, %swap3A_597, %swap3A_598] : memref<1x125x5x5x256xf32, #tpu.memory_space<vmem>>, vector<1x5x5x5x256xf32>
    %swap3A_600 = vector.shape_cast %swap3A_599 : vector<1x5x5x5x256xf32> to vector<5x5x5x256xf32>
    %swap3A_601 = vector.shape_cast %slice3A_593 : vector<5x5x5x256xf32> to vector<1x5x5x5x256xf32>
    tpu.vector_store %arg3[%swap3A_594, %swap3A_595, %swap3A_596, %swap3A_597, %swap3A_598], %swap3A_601 {strides = array<i32>} : memref<1x125x5x5x256xf32, #tpu.memory_space<vmem>>, vector<1x5x5x5x256xf32>,
    %get3A_602 = arith.constant 42 : index
    %get3A_603 = arith.constant 0 : index
    %get3A_604 = arith.constant 0 : index
    %get3A_605 = vector.load %arg1[%get3A_602, %get3A_603, %get3A_604] : memref<50x128x128xf32, #tpu.memory_space<vmem>>, vector<1x125x128xf32>
    %get3A_606 = vector.shape_cast %get3A_605 : vector<1x125x128xf32> to vector<125x128xf32>
    %get3A_607 = arith.constant 43 : index
    %get3A_608 = arith.constant 0 : index
    %get3A_609 = arith.constant 0 : index
    %get3A_610 = vector.load %arg1[%get3A_607, %get3A_608, %get3A_609] : memref<50x128x128xf32, #tpu.memory_space<vmem>>, vector<1x125x128xf32>
    %get3A_611 = vector.shape_cast %get3A_610 : vector<1x125x128xf32> to vector<125x128xf32>
    %concatenate3A_612 = tpu.concatenate %get3A_606, %get3A_611 in 1 : vector<125x128xf32>, vector<125x128xf32> -> vector<125x256xf32>
    %get3A_613 = arith.constant 21 : index
    %get3A_614 = arith.constant 0 : index
    %get3A_615 = arith.constant 0 : index
    %get3A_616 = vector.load %arg2[%get3A_613, %get3A_614, %get3A_615] : memref<25x200x125xbf16, #tpu.memory_space<vmem>>, vector<1x200x125xbf16>
    %get3A_617 = vector.shape_cast %get3A_616 : vector<1x200x125xbf16> to vector<200x125xbf16>
    %convert_element_type3A_618 = arith.truncf %concatenate3A_612 : vector<125x256xf32> to vector<125x256xbf16>
    %dot_general3A_619 = arith.constant dense<0.000000e+00> : vector<200x256xf32>
    %dot_general3A_620 = tpu.matmul %get3A_617, %convert_element_type3A_618, %dot_general3A_619 {dimension_numbers = #tpu.dot_dimension_numbers<[1], [0], [0], [1], [0, 0, 1, 1], [], []>, transpose_lhs_hint = false} : vector<200x125xbf16>, vector<125x256xbf16>, vector<200x256xf32> -> vector<200x256xf32>
    %reshape3A_621 = vector.shape_cast %dot_general3A_620 : vector<200x256xf32> to vector<5x5x8x256xf32>
    %slice3A_622 = vector.extract_strided_slice %reshape3A_621 {offsets = [0, 0, 0, 0], sizes = [5, 5, 5, 256], strides = [1, 1, 1, 1]} : vector<5x5x8x256xf32> to vector<5x5x5x256xf32>
    %swap3A_623 = arith.constant 0 : index
    %swap3A_624 = arith.constant 105 : index
    %swap3A_625 = arith.constant 0 : index
    %swap3A_626 = arith.constant 0 : index
    %swap3A_627 = arith.constant 0 : index
    %swap3A_628 = vector.load %arg3[%swap3A_623, %swap3A_624, %swap3A_625, %swap3A_626, %swap3A_627] : memref<1x125x5x5x256xf32, #tpu.memory_space<vmem>>, vector<1x5x5x5x256xf32>
    %swap3A_629 = vector.shape_cast %swap3A_628 : vector<1x5x5x5x256xf32> to vector<5x5x5x256xf32>
    %swap3A_630 = vector.shape_cast %slice3A_622 : vector<5x5x5x256xf32> to vector<1x5x5x5x256xf32>
    tpu.vector_store %arg3[%swap3A_623, %swap3A_624, %swap3A_625, %swap3A_626, %swap3A_627], %swap3A_630 {strides = array<i32>} : memref<1x125x5x5x256xf32, #tpu.memory_space<vmem>>, vector<1x5x5x5x256xf32>,
    %get3A_631 = arith.constant 44 : index
    %get3A_632 = arith.constant 0 : index
    %get3A_633 = arith.constant 0 : index
    %get3A_634 = vector.load %arg1[%get3A_631, %get3A_632, %get3A_633] : memref<50x128x128xf32, #tpu.memory_space<vmem>>, vector<1x125x128xf32>
    %get3A_635 = vector.shape_cast %get3A_634 : vector<1x125x128xf32> to vector<125x128xf32>
    %get3A_636 = arith.constant 45 : index
    %get3A_637 = arith.constant 0 : index
    %get3A_638 = arith.constant 0 : index
    %get3A_639 = vector.load %arg1[%get3A_636, %get3A_637, %get3A_638] : memref<50x128x128xf32, #tpu.memory_space<vmem>>, vector<1x125x128xf32>
    %get3A_640 = vector.shape_cast %get3A_639 : vector<1x125x128xf32> to vector<125x128xf32>
    %concatenate3A_641 = tpu.concatenate %get3A_635, %get3A_640 in 1 : vector<125x128xf32>, vector<125x128xf32> -> vector<125x256xf32>
    %get3A_642 = arith.constant 22 : index
    %get3A_643 = arith.constant 0 : index
    %get3A_644 = arith.constant 0 : index
    %get3A_645 = vector.load %arg2[%get3A_642, %get3A_643, %get3A_644] : memref<25x200x125xbf16, #tpu.memory_space<vmem>>, vector<1x200x125xbf16>
    %get3A_646 = vector.shape_cast %get3A_645 : vector<1x200x125xbf16> to vector<200x125xbf16>
    %convert_element_type3A_647 = arith.truncf %concatenate3A_641 : vector<125x256xf32> to vector<125x256xbf16>
    %dot_general3A_648 = arith.constant dense<0.000000e+00> : vector<200x256xf32>
    %dot_general3A_649 = tpu.matmul %get3A_646, %convert_element_type3A_647, %dot_general3A_648 {dimension_numbers = #tpu.dot_dimension_numbers<[1], [0], [0], [1], [0, 0, 1, 1], [], []>, transpose_lhs_hint = false} : vector<200x125xbf16>, vector<125x256xbf16>, vector<200x256xf32> -> vector<200x256xf32>
    %reshape3A_650 = vector.shape_cast %dot_general3A_649 : vector<200x256xf32> to vector<5x5x8x256xf32>
    %slice3A_651 = vector.extract_strided_slice %reshape3A_650 {offsets = [0, 0, 0, 0], sizes = [5, 5, 5, 256], strides = [1, 1, 1, 1]} : vector<5x5x8x256xf32> to vector<5x5x5x256xf32>
    %swap3A_652 = arith.constant 0 : index
    %swap3A_653 = arith.constant 110 : index
    %swap3A_654 = arith.constant 0 : index
    %swap3A_655 = arith.constant 0 : index
    %swap3A_656 = arith.constant 0 : index
    %swap3A_657 = vector.load %arg3[%swap3A_652, %swap3A_653, %swap3A_654, %swap3A_655, %swap3A_656] : memref<1x125x5x5x256xf32, #tpu.memory_space<vmem>>, vector<1x5x5x5x256xf32>
    %swap3A_658 = vector.shape_cast %swap3A_657 : vector<1x5x5x5x256xf32> to vector<5x5x5x256xf32>
    %swap3A_659 = vector.shape_cast %slice3A_651 : vector<5x5x5x256xf32> to vector<1x5x5x5x256xf32>
    tpu.vector_store %arg3[%swap3A_652, %swap3A_653, %swap3A_654, %swap3A_655, %swap3A_656], %swap3A_659 {strides = array<i32>} : memref<1x125x5x5x256xf32, #tpu.memory_space<vmem>>, vector<1x5x5x5x256xf32>,
    %get3A_660 = arith.constant 46 : index
    %get3A_661 = arith.constant 0 : index
    %get3A_662 = arith.constant 0 : index
    %get3A_663 = vector.load %arg1[%get3A_660, %get3A_661, %get3A_662] : memref<50x128x128xf32, #tpu.memory_space<vmem>>, vector<1x125x128xf32>
    %get3A_664 = vector.shape_cast %get3A_663 : vector<1x125x128xf32> to vector<125x128xf32>
    %get3A_665 = arith.constant 47 : index
    %get3A_666 = arith.constant 0 : index
    %get3A_667 = arith.constant 0 : index
    %get3A_668 = vector.load %arg1[%get3A_665, %get3A_666, %get3A_667] : memref<50x128x128xf32, #tpu.memory_space<vmem>>, vector<1x125x128xf32>
    %get3A_669 = vector.shape_cast %get3A_668 : vector<1x125x128xf32> to vector<125x128xf32>
    %concatenate3A_670 = tpu.concatenate %get3A_664, %get3A_669 in 1 : vector<125x128xf32>, vector<125x128xf32> -> vector<125x256xf32>
    %get3A_671 = arith.constant 23 : index
    %get3A_672 = arith.constant 0 : index
    %get3A_673 = arith.constant 0 : index
    %get3A_674 = vector.load %arg2[%get3A_671, %get3A_672, %get3A_673] : memref<25x200x125xbf16, #tpu.memory_space<vmem>>, vector<1x200x125xbf16>
    %get3A_675 = vector.shape_cast %get3A_674 : vector<1x200x125xbf16> to vector<200x125xbf16>
    %convert_element_type3A_676 = arith.truncf %concatenate3A_670 : vector<125x256xf32> to vector<125x256xbf16>
    %dot_general3A_677 = arith.constant dense<0.000000e+00> : vector<200x256xf32>
    %dot_general3A_678 = tpu.matmul %get3A_675, %convert_element_type3A_676, %dot_general3A_677 {dimension_numbers = #tpu.dot_dimension_numbers<[1], [0], [0], [1], [0, 0, 1, 1], [], []>, transpose_lhs_hint = false} : vector<200x125xbf16>, vector<125x256xbf16>, vector<200x256xf32> -> vector<200x256xf32>
    %reshape3A_679 = vector.shape_cast %dot_general3A_678 : vector<200x256xf32> to vector<5x5x8x256xf32>
    %slice3A_680 = vector.extract_strided_slice %reshape3A_679 {offsets = [0, 0, 0, 0], sizes = [5, 5, 5, 256], strides = [1, 1, 1, 1]} : vector<5x5x8x256xf32> to vector<5x5x5x256xf32>
    %swap3A_681 = arith.constant 0 : index
    %swap3A_682 = arith.constant 115 : index
    %swap3A_683 = arith.constant 0 : index
    %swap3A_684 = arith.constant 0 : index
    %swap3A_685 = arith.constant 0 : index
    %swap3A_686 = vector.load %arg3[%swap3A_681, %swap3A_682, %swap3A_683, %swap3A_684, %swap3A_685] : memref<1x125x5x5x256xf32, #tpu.memory_space<vmem>>, vector<1x5x5x5x256xf32>
    %swap3A_687 = vector.shape_cast %swap3A_686 : vector<1x5x5x5x256xf32> to vector<5x5x5x256xf32>
    %swap3A_688 = vector.shape_cast %slice3A_680 : vector<5x5x5x256xf32> to vector<1x5x5x5x256xf32>
    tpu.vector_store %arg3[%swap3A_681, %swap3A_682, %swap3A_683, %swap3A_684, %swap3A_685], %swap3A_688 {strides = array<i32>} : memref<1x125x5x5x256xf32, #tpu.memory_space<vmem>>, vector<1x5x5x5x256xf32>,
    %get3A_689 = arith.constant 48 : index
    %get3A_690 = arith.constant 0 : index
    %get3A_691 = arith.constant 0 : index
    %get3A_692 = vector.load %arg1[%get3A_689, %get3A_690, %get3A_691] : memref<50x128x128xf32, #tpu.memory_space<vmem>>, vector<1x125x128xf32>
    %get3A_693 = vector.shape_cast %get3A_692 : vector<1x125x128xf32> to vector<125x128xf32>
    %get3A_694 = arith.constant 49 : index
    %get3A_695 = arith.constant 0 : index
    %get3A_696 = arith.constant 0 : index
    %get3A_697 = vector.load %arg1[%get3A_694, %get3A_695, %get3A_696] : memref<50x128x128xf32, #tpu.memory_space<vmem>>, vector<1x125x128xf32>
    %get3A_698 = vector.shape_cast %get3A_697 : vector<1x125x128xf32> to vector<125x128xf32>
    %concatenate3A_699 = tpu.concatenate %get3A_693, %get3A_698 in 1 : vector<125x128xf32>, vector<125x128xf32> -> vector<125x256xf32>
    %get3A_700 = arith.constant 24 : index
    %get3A_701 = arith.constant 0 : index
    %get3A_702 = arith.constant 0 : index
    %get3A_703 = vector.load %arg2[%get3A_700, %get3A_701, %get3A_702] : memref<25x200x125xbf16, #tpu.memory_space<vmem>>, vector<1x200x125xbf16>
    %get3A_704 = vector.shape_cast %get3A_703 : vector<1x200x125xbf16> to vector<200x125xbf16>
    %convert_element_type3A_705 = arith.truncf %concatenate3A_699 : vector<125x256xf32> to vector<125x256xbf16>
    %dot_general3A_706 = arith.constant dense<0.000000e+00> : vector<200x256xf32>
    %dot_general3A_707 = tpu.matmul %get3A_704, %convert_element_type3A_705, %dot_general3A_706 {dimension_numbers = #tpu.dot_dimension_numbers<[1], [0], [0], [1], [0, 0, 1, 1], [], []>, transpose_lhs_hint = false} : vector<200x125xbf16>, vector<125x256xbf16>, vector<200x256xf32> -> vector<200x256xf32>
    %reshape3A_708 = vector.shape_cast %dot_general3A_707 : vector<200x256xf32> to vector<5x5x8x256xf32>
    %slice3A_709 = vector.extract_strided_slice %reshape3A_708 {offsets = [0, 0, 0, 0], sizes = [5, 5, 5, 256], strides = [1, 1, 1, 1]} : vector<5x5x8x256xf32> to vector<5x5x5x256xf32>
    %swap3A_710 = arith.constant 0 : index
    %swap3A_711 = arith.constant 120 : index
    %swap3A_712 = arith.constant 0 : index
    %swap3A_713 = arith.constant 0 : index
    %swap3A_714 = arith.constant 0 : index
    %swap3A_715 = vector.load %arg3[%swap3A_710, %swap3A_711, %swap3A_712, %swap3A_713, %swap3A_714] : memref<1x125x5x5x256xf32, #tpu.memory_space<vmem>>, vector<1x5x5x5x256xf32>
    %swap3A_716 = vector.shape_cast %swap3A_715 : vector<1x5x5x5x256xf32> to vector<5x5x5x256xf32>
    %swap3A_717 = vector.shape_cast %slice3A_709 : vector<5x5x5x256xf32> to vector<1x5x5x5x256xf32>
    tpu.vector_store %arg3[%swap3A_710, %swap3A_711, %swap3A_712, %swap3A_713, %swap3A_714], %swap3A_717 {strides = array<i32>} : memref<1x125x5x5x256xf32, #tpu.memory_space<vmem>>, vector<1x5x5x5x256xf32>,
    return
  }
  func.func @transform_0(%arg0: i32) -> (i32, i32, i32) {
    %c0_i32 = arith.constant 0 : i32
    %c0_i32_0 = arith.constant 0 : i32
    %c0_i32_1 = arith.constant 0 : i32
    return %arg0, %c0_i32, %c0_i32_0 : i32, i32, i32
  }
  func.func @transform_1(%arg0: i32) -> (i32, i32, i32) {
    %c0_i32 = arith.constant 0 : i32
    %c0_i32_0 = arith.constant 0 : i32
    %c0_i32_1 = arith.constant 0 : i32
    return %arg0, %c0_i32, %c0_i32_0 : i32, i32, i32
  }
  func.func @transform_2(%arg0: i32) -> (i32, i32, i32, i32, i32) {
    %jit3A = arith.constant 8 : i32
    %div3A = arith.divsi %arg0, %jit3A : i32
    %sign3A = arith.constant 0 : i32
    %sign3A_0 = arith.cmpi sgt, %arg0, %sign3A : i32
    %sign3A_1 = arith.extui %sign3A_0 : i1 to i32
    %sign3A_2 = arith.constant 0 : i32
    %sign3A_3 = arith.cmpi slt, %arg0, %sign3A_2 : i32
    %sign3A_4 = arith.extui %sign3A_3 : i1 to i32
    %sign3A_5 = arith.subi %sign3A_1, %sign3A_4 : i32
    %sign3A_6 = arith.constant 0 : i32
    %sign3A_7 = arith.cmpi sgt, %jit3A, %sign3A_6 : i32
    %sign3A_8 = arith.extui %sign3A_7 : i1 to i32
    %sign3A_9 = arith.constant 0 : i32
    %sign3A_10 = arith.cmpi slt, %jit3A, %sign3A_9 : i32
    %sign3A_11 = arith.extui %sign3A_10 : i1 to i32
    %sign3A_12 = arith.subi %sign3A_8, %sign3A_11 : i32
    %ne3A = arith.cmpi ne, %sign3A_5, %sign3A_12 : i32
    %rem3A = arith.remsi %arg0, %jit3A : i32
    %ne3A_13 = arith.constant 0 : i32
    %ne3A_14 = arith.cmpi ne, %rem3A, %ne3A_13 : i32
    %and3A = arith.andi %ne3A, %ne3A_14 : i1
    %sub3A = arith.constant 1 : i32
    %sub3A_15 = arith.subi %div3A, %sub3A : i32
    %select_n3A = arith.select %and3A, %sub3A_15, %div3A : i32
    %jit3A_16 = arith.constant 8 : i32
    %eq3A = arith.constant 0 : i32
    %eq3A_17 = arith.cmpi eq, %jit3A_16, %eq3A : i32
    %jit3A_18 = arith.constant 1 : i32
    %select_n3A_19 = arith.select %eq3A_17, %jit3A_18, %jit3A_16 : i32
    %rem3A_20 = arith.remsi %arg0, %select_n3A_19 : i32
    %ne3A_21 = arith.constant 0 : i32
    %ne3A_22 = arith.cmpi ne, %rem3A_20, %ne3A_21 : i32
    %lt3A = arith.constant 0 : i32
    %lt3A_23 = arith.cmpi slt, %rem3A_20, %lt3A : i32
    %lt3A_24 = arith.constant 0 : i32
    %lt3A_25 = arith.cmpi slt, %select_n3A_19, %lt3A_24 : i32
    %ne3A_26 = arith.xori %lt3A_23, %lt3A_25 : i1
    %and3A_27 = arith.andi %ne3A_26, %ne3A_22 : i1
    %add3A = arith.addi %rem3A_20, %select_n3A_19 : i32
    %select_n3A_28 = arith.select %and3A_27, %add3A, %rem3A_20 : i32
    %c0_i32 = arith.constant 0 : i32
    %c0_i32_29 = arith.constant 0 : i32
    %c0_i32_30 = arith.constant 0 : i32
    %c0_i32_31 = arith.constant 0 : i32
    return %select_n3A, %select_n3A_28, %c0_i32, %c0_i32_29, %c0_i32_30 : i32, i32, i32, i32, i32
  }
}

</mosaic_0001>

<sc_bundles>
// kernel: kernel.5.cloned.1.call-start
scs
__scs_entry_jumppad:
0x0: {  	(pc) =	sbr.rel $0x88, $3  }
0x1: {  	(tag) =	ssettag $0x0;
	lr =	simm.s32 $0x1  }
0x2: {  	[smem:$0x3F9F] =	sst lr;
	_ =	strace $0xD0000000  }
0x3: {  	_ = 	snop  }
0x4: {  	_ = 	snop  }
0x5: {  	_ = 	snop  }
0x6: {  	_ = 	snop  }
0x7: {  	_ = 	snop  }
__scs_overlays_trampoline_lowered:
0x8: {  	[smem:$0x3FAE] =	sst s0  }
0x9: {  	[smem:$0x3FAF] =	sst s1  }
0xa: {  	[smem:$0x3FB0] =	sst s2  }
0xb: {  	[smem:$0x3FB1] =	sst s3  }
0xc: {  	[smem:$0x3FB2] =	sst s4  }
0xd: {  	[smem:$0x3FB3] =	sst s5  }
0xe: {  	[smem:$0x3FB4] =	sst s6  }
0xf: {  	[smem:$0x3FB5] =	sst s7  }
0x10: {  	[smem:$0x3FB6] =	sst s8  }
0x11: {  	[smem:$0x3FB7] =	sst s9;
	s0 =	simm.s32 @!p0 $0x0  }
0x12: {  	s1 =	sld [smem:$0x3F9D];
	s0 =	simm.s32 @p0 $0x1  }
0x13: {  	[smem:$0x3FB8] =	sst s0;
	s0 =	simm.s32 @!p1 $0x0  }
0x14: {  	s2 =	sld [smem:$0x3F9C];
	s0 =	simm.s32 @p1 $0x1  }
0x15: {  	[smem:$0x3FB9] =	sst s0;
	s0 =	simm.s32 @!p2 $0x0  }
0x16: {  	s3 =	sld [smem:$0x3FDB];
	s0 =	simm.s32 @p2 $0x1  }
0x17: {  	s4 =	simm.s32 $0x1BF5;
	[smem:$0x3FBB] =	sst s0  }
0x18: {  	s0 =	sld [smem:$0x3F9E];
	_ =	swait.ge [sflag:s4], $0x0  }
0x19: {  	s7 =	sld [smem:$0x3F9F]  }
0x1a: {  	s8 =	sadd.s32 $0xFFFFE003, lr  }
0x1b: {  	s9 =	sadd.s32 $0xFFFFFEF7, lr;
	s5 =	simm.s32 $0xFFFFFFFF;
	p2 =	slt.u32 s8, $0xFFFFF086  }
0x1c: {  	p1 =	slt.u32 s9, $0xF7A;
	s5 =	simm.s32 @!p2 $0x0  }
0x1d: {  	s5 =	simm.s32 @p1 $0x1;
	p0 =	seq.s32 s7, s2  }
0x1e: {  	s7 =	smul.u32 @!p0 $0xF7A, s2;
	p2 =	seq.s32 @!p0 s5, $0x0  }
0x1f: {  	s9 =	smul.u32 $0xF7A, s1;
	s8 =	simm.s32 @!p0 $0x1BF5;
	p2 =	por !p2, p0  }
0x20: {  	[sflag:s8] =	ssyncset.s32 @!p0 $0xFFFFF086;
	s6 =	sadd.s32 @!p0 s3, s7;
	s7 =	simm.s32 @!p0 $0x108  }
0x21: {  	s3 =	sadd.s32 s3, s9;
	s6 =	sadd.s32 @!p0 $0x88, s6;
	s7 =	simm.s32 @p2 $0x1082  }
0x22: {  	[simem:s7], [sflag:s8] =	dma.local @!p0 [hbm:s6], $0xF7A  }
0x23: {  	s9 =	sor.u32 $0xD0000000, s2;
	s6 =	simm.s32 $0x108;
	_ =	swait.ge @!p0 [sflag:s8], $0x0  }
0x24: {  	s3 =	sadd.s32 $0x88, s3;
	s6 =	simm.s32 @!p1 $0x1082;
	[sflag:s4] =	ssyncset.s32 $0xFFFFF086  }
0x25: {  	[simem:s6], [sflag:s4] =	dma.local [hbm:s3], $0xF7A  }
0x26: {  	[smem:$0x3F9F] =	sst s1;
	(tag) =	ssettag s2;
	_ =	strace s9  }
0x27: {  	s1 =	sld [smem:$0x3FAF]  }
0x28: {  	s2 =	sld [smem:$0x3FB0]  }
0x29: {  	s4 =	sld [smem:$0x3FB2]  }
0x2a: {  	p0 =	seq.s32 s5, $0x0;
	s5 =	sld [smem:$0x3FB3]  }
0x2b: {  	s6 =	sld [smem:$0x3FB4]  }
0x2c: {  	s7 =	sld [smem:$0x3FB5]  }
0x2d: {  	s3 =	simm.s32 $0x108;
	s8 =	sld [smem:$0x3FB6]  }
0x2e: {  	s3 =	simm.s32 @!p0 $0x1082;
	s9 =	sld [smem:$0x3FB7]  }
0x2f: {  	lr =	sadd.s32 s0, s3;
	s0 =	sld [smem:$0x3FAE]  }
0x30: {  	s3 =	sld [smem:$0x3FB1]  }
0x31: {  	[smem:$0x3FBA] =	sst s10  }
0x32: {  	s10 =	sld [smem:$0x3FB8];
	_ =	sdelay $0x3  }
0x33: {  	p0 =	seq.s32 s10, $0x1;
	s10 =	sld [smem:$0x3FBA];
	_ =	sdelay $0x3  }
0x34: {  	[smem:$0x3FBA] =	sst s10  }
0x35: {  	s10 =	sld [smem:$0x3FB9];
	_ =	sdelay $0x3  }
0x36: {  	p1 =	seq.s32 s10, $0x1;
	s10 =	sld [smem:$0x3FBA];
	_ =	sdelay $0x3  }
0x37: {  	[smem:$0x3FBA] =	sst s10  }
0x38: {  	s10 =	sld [smem:$0x3FBB]  }
0x39: {  	_ = 	snop;
	(pc) =	sbr.ind lr, $3  }
0x3a: {  	_ = 	snop  }
0x3b: {  	_ = 	snop  }
0x3c: {  	p2 =	seq.s32 s10, $0x1;
	s10 =	sld [smem:$0x3FBA]  }
0x3d: {  	_ =	shalt  }
0x3e: {  	_ =	shalt  }
0x3f: {  	_ =	shalt  }
0x40: {  	_ =	shalt  }
0x41: {  	_ =	shalt  }
0x42: {  	_ =	shalt  }
0x43: {  	_ =	shalt  }
0x44: {  	_ =	shalt  }
0x45: {  	_ =	shalt  }
0x46: {  	_ =	shalt  }
0x47: {  	_ =	shalt  }
0x48: {  	_ =	shalt  }
0x49: {  	_ =	shalt  }
0x4a: {  	_ =	shalt  }
0x4b: {  	_ =	shalt  }
0x4c: {  	_ =	shalt  }
0x4d: {  	_ =	shalt  }
0x4e: {  	_ =	shalt  }
0x4f: {  	_ =	shalt  }
0x50: {  	_ =	shalt  }
0x51: {  	_ =	shalt  }
0x52: {  	_ =	shalt  }
0x53: {  	_ =	shalt  }
0x54: {  	_ =	shalt  }
0x55: {  	_ =	shalt  }
0x56: {  	_ =	shalt  }
0x57: {  	_ =	shalt  }
0x58: {  	_ =	shalt  }
0x59: {  	_ =	shalt  }
0x5a: {  	_ =	shalt  }
0x5b: {  	_ =	shalt  }
0x5c: {  	_ =	shalt  }
0x5d: {  	_ =	shalt  }
0x5e: {  	_ =	shalt  }
0x5f: {  	_ =	shalt  }
0x60: {  	_ =	shalt  }
0x61: {  	_ =	shalt  }
0x62: {  	_ =	shalt  }
0x63: {  	_ =	shalt  }
0x64: {  	_ =	shalt  }
0x65: {  	_ =	shalt  }
0x66: {  	_ =	shalt  }
0x67: {  	_ =	shalt  }
0x68: {  	_ =	shalt  }
0x69: {  	_ =	shalt  }
0x6a: {  	_ =	shalt  }
0x6b: {  	_ =	shalt  }
0x6c: {  	_ =	shalt  }
0x6d: {  	_ =	shalt  }
0x6e: {  	_ =	shalt  }
0x6f: {  	_ =	shalt  }
0x70: {  	_ =	shalt  }
0x71: {  	_ =	shalt  }
0x72: {  	_ =	shalt  }
0x73: {  	_ =	shalt  }
0x74: {  	_ =	shalt  }
0x75: {  	_ =	shalt  }
0x76: {  	_ =	shalt  }
0x77: {  	_ =	shalt  }
0x78: {  	_ =	shalt  }
0x79: {  	_ =	shalt  }
0x7a: {  	_ =	shalt  }
0x7b: {  	_ =	shalt  }
0x7c: {  	_ =	shalt  }
0x7d: {  	_ =	shalt  }
0x7e: {  	_ =	shalt  }
0x7f: {  	_ =	shalt  }
0x80: {  	_ =	shalt  }
0x81: {  	_ =	shalt  }
0x82: {  	_ =	shalt  }
0x83: {  	_ =	shalt  }
0x84: {  	_ =	shalt  }
0x85: {  	_ =	shalt  }
0x86: {  	_ =	shalt  }
0x87: {  	_ =	shalt  }
.Lfunc_end0:
.L_simem_size_0:
called_computation_lowered:
.L_overlay_start_0:
0x88: {  	s2 =	sld [smem:$0x3FD9]  }
0x89: {  	s3 =	sld [smem:$0x3FFE];
	_ =	sdelay $0x1  }
0x8a: {  	s1 =	srdreg.scid  }
0x8b: {  	s0 =	sand.u32 $0x1, s1  }
0x8c: {  	s16 =	sshll.u32 s0, $0xA;
	s2 =	sadd.s32 s3, s2  }
0x8d: {  	s2 =	sadd.s32 s2, s16  }
0x8e: {  	[smem:$0x3FC6] =	sst s2  }
0x8f: {  	_ = 	snop  }
0x90: {  	(tm) =	ssettm $0x1  }
0x91: {  	s17 =	sld [smem:$0x3FFB];
	_ =	sdelay $0x3  }
0x92: {  	_ =	strace s17  }
0x93: {  	s2 =	sld [smem:$0x3FFC];
	_ =	sdelay $0x3  }
0x94: {  	_ =	strace s2  }
0x95: {  	s2 =	sld [smem:$0x3FFD];
	_ =	sdelay $0x3  }
0x96: {  	_ =	strace s2  }
0x97: {  	_ =	strace $0x8FFFFFFF  }
0x98: {  	s18 =	sld [smem:$0x3FDB];
	_ =	sdelay $0x1  }
0x99: {  	s19 =	simm.s32 $_scs_section_size  }
0x9a: {  	s4 =	simm.s32 $_size__tile_overlayer_lowered;
	s5 =	simm.s32 $_tile_overlayer_lowered  }
0x9b: {  	s22 =	simm.s32 $0x1BFF;
	s21 =	sshll.u32 s5, $0x1;
	s2 =	sadd.s32 s19, s18  }
0x9c: {  	s6 =	simm.s32 $0x0;
	s20 =	sshll.u32 s4, $0x1;
	s4 =	sadd.s32 s21, s2  }
0x9d: {  	[timem:s6], [sflag:s22] =	dma.local [hbm:s4], s20  }
0x9e: {  	_ =	swait.ge [sflag:s22], s20  }
0x9f: {  	s3 =	ssub.s32 $0x0, s20;
	[sflag:s22] =	ssyncset.done $0x0  }
0xa0: {  	[sflag:s22] =	ssyncadd.s32 s3;
	_ =	sdelay $0x1  }
0xa1: {  	s23 =	simm.s32 $0x1B8B  }
0xa2: {  	_ =	swait.ge [sflag:s23], $0x1  }
0xa3: {  	[sflag:s23] =	ssyncset.done $0x0  }
0xa4: {  	s25 =	simm.s32 $0x1B8E;
	s24 =	sld [smem:$0x3FFE];
	[sflag:s23] =	ssyncadd.s32 $0xFFFFFFFF  }
0xa5: {  	s26 =	simm.s32 $execute0_lowered;
	[smem:$0x3FD2] =	sst s25  }
0xa6: {  	s4 =	sshll.u32 s26, $0x1;
	_ =	strace $0x80000046;
	[dreg:$0x1] =	wrdreg $0xFFFFFFFF  }
0xa7: {  	s28 =	simm.s32 $_size_execute0_lowered;
	s2 =	sadd.s32 s2, s4;
	[dreg:$0x0] =	wrdreg $0x0  }
0xa8: {  	s4 =	sshll.u32 s28, $0x1;
	[dreg:$0x2] =	wrdreg s2  }
0xa9: {  	[dreg:$0x3] =	wrdreg s4  }
0xaa: {  	[dreg:$0x4] =	wrdreg $0xC0  }
0xab: {  	_ =	task [dreg:s6], $0x5FFFF  }
0xac: {  	[dreg:$0x1] =	wrdreg $0xFFFFFFFF  }
0xad: {  	[dreg:$0x0] =	wrdreg $0x60  }
0xae: {  	[dreg:$0x2] =	wrdreg s24  }
0xaf: {  	[dreg:$0x3] =	wrdreg $0x9  }
0xb0: {  	_ =	task.clear_ibuf [dreg:s6], $0x4FFFF;
	_ =	strace $0x90000046  }
0xb1: {  	s29 =	simm.s32 $0x9;
	_ =	strace $0x80000048  }
0xb2: {  	_ =	swait.ge [sflag:s29], $0x1  }
0xb3: {  	[sflag:s29] =	ssyncadd.s32 $0xFFFFFFFF  }
0xb4: {  	_ =	strace $0x90000048  }
0xb5: {  	_ =	sfence  }
0xb6: {  	s30 =	sld [smem:$0x0];
	_ =	sdelay $0x2  }
0xb7: {  	s31 =	sshll.u32 s1, $0xD;
	s1 =	sshrl.u32 s1, $0x2  }
0xb8: {  	s3 =	sand.u32 $0x4000, s31;
	s1 =	sadd.s32 s1, s30  }
0xb9: {  	s0 =	sor.u32 s3, s0;
	s1 =	sshll.u32 s1, $0x11  }
0xba: {  	s0 =	sor.u32 s1, s0  }
0xbb: {  	s0 =	sadd.s32 $0x8F2B, s0  }
0xbc: {  	[sflag:s0] =	ssyncadd.remote.s32 $0x1  }
0xbd: {  	_ =	sfence.sel $0xFFFF  }
0xbe: {  	[dreg:$0x0] =	wrdreg $0xFFFFFFFF;
	(pc) =	sbr.abs _section_cstart, $3  }
0xbf: {  	[dreg:$0x1] =	wrdreg $0xFFFFFFFF  }
0xc0: {  	_ =	task.clear_ibuf [dreg:s6], $0x2FFFF;
	_ =	strace $0x9FFFFFFF  }
0xc1: {  	(tm) =	ssettm $0x7FFFFFFF  }
tec
execute0_lowered:
.L_overlay_start_1:
0x0: {  	(tag) =	ssettag $0x1  }
0x1: {  	s5 =	rddreg [dreg:$0x0];
	s2 =	srdreg.scid  }
0x2: {  	s1 =	stileid.u32;
	s0 =	rddreg [dreg:$0x1];
	s13 =	simm.s32 $0x3  }
0x3: {  	s14 =	simm.s32 $0x1900;
	s15 =	simm.s32 $0x5900;
	s16 =	simm.s32 $0x1  }
0x4: {  	s17 =	simm.s32 $0x100;
	s18 =	simm.s32 $0x9900;
	s19 =	simm.s32 $0x180  }
0x5: {  	s20 =	simm.s32 $0xD900;
	s21 =	simm.s32 $0x2;
	s22 =	simm.s32 $0x0  }
0x6: {  	s7 =	sand.u32 $0x1, s2;
	s3 =	sshll.u32 s1, $0x1;
	s2 =	simm.s32 $0x0  }
0x7: {  	s26 =	sshrl.u32 s1, $0x2;
	s29 =	sadd.s32 $0x86400, s5;
	s11 =	sadd.s32 $0x86C00, s5  }
0x8: {  	s31 =	sshll.u32 s1, $0xD;
	s6 =	sor.u32 s7, s3;
	[smem:$0x7FF] =	sst s2  }
0x9: {  	s4 =	smul.u32 $0xC800, s26;
	s3 =	sadd.s32 $0x6400, s5;
	s9 =	ssub.s32 $0x2, s7  }
0xa: {  	s12 =	sshll.u32 s7, $0xC;
	s28 =	sshll.u32 s6, $0x7;
	_ =	strace $0x80000047  }
0xb: {  	s10 =	sshrl.u32 s9, $0x1;
	s30 =	sshll.u32 s6, $0xC;
	s8 =	sand.u32 $0x380, s28  }
0xc: {  	s9 =	ssub.s32 s9, s10;
	s6 =	sadd.s32 s29, s30;
	s4 =	sor.u32 s4, s8  }
0xd: {  	s7 =	sadd.s32 s30, s11;
	s10 =	sor.u32 $0x300000, s30;
	s4 =	sshrl.u32 s4, $0x3  }
0xe: {  	s4 =	sadd.s32 s5, s4;
	s5 =	smax.u32 s9, $0x1;
	s9 =	sadd.s32 s31, s29  }
0xf: {  	s8 =	sadd.s32 s29, s10;
	s12 =	sadd.s32 s12, s9;
	s9 =	sadd.s32 s10, s11  }
0x10: {  	s11 =	simm.s32 $0x80;
	s10 =	sadd.s32 $0x20000, s12;
	s12 =	simm.s32 $0x400  }
.LBB2_1:
0x11: {  	[tilespmem:s2], [sflag:$0x3] =	stream.strided.gather [hbm4b:s4+s11], $0x1900, s12, s11, $0x38;
	[tilespmem:$0x11900] =	vst v63  }
0x12: {  	_ =	swait.ge [sflag:s13], $0x1900  }
0x13: {  	[sflag:s13] =	ssyncset.done $0x0  }
0x14: {  	[sflag:s13] =	ssyncadd.s32 $0xFFFFE700  }
0x15: {  	[tilespmem:s14], [sflag:$0x1] =	stream.indirect.gather [hbm4b:s3+s11], $0x80, s2, s11, $0xb8;
	[tilespmem:$0x11900] =	vst v63  }
0x16: {  	_ = 	snop  }
0x17: {  	[tilespmem:s15], [sflag:$0x1] =	stream.indirect.gather [hbm4b:s3+s11], $0x80, s11, s11, $0xb8;
	[tilespmem:$0x11900] =	vst v63  }
0x18: {  	_ =	swait.ge [sflag:s16], $0x4000  }
0x19: {  	[sflag:s16] =	ssyncset.done $0x0  }
0x1a: {  	[sflag:s16] =	ssyncadd.s32 $0xFFFFC000  }
0x1b: {  	_ =	swait.ge [sflag:s16], $0x4000  }
0x1c: {  	[sflag:s16] =	ssyncset.done $0x0  }
0x1d: {  	[sflag:s16] =	ssyncadd.s32 $0xFFFFC000  }
0x1e: {  	[tilespmem:s18], [sflag:$0x1] =	stream.indirect.gather [hbm4b:s3+s11], $0x80, s17, s11, $0xb8;
	[tilespmem:$0x11900] =	vst v63  }
0x1f: {  	_ = 	snop  }
0x20: {  	[tilespmem:s20], [sflag:$0x1] =	stream.indirect.gather [hbm4b:s3+s11], $0x80, s19, s11, $0xb8;
	[tilespmem:$0x11900] =	vst v63  }
0x21: {  	_ = 	snop  }
0x22: {  	[hbm4b:s6+s2] =	stream.linear.scatter [tilespmem:s14], [sflag:$0x2], $0x4000, $0x38;
	[tilespmem:$0x11900] =	vst v63  }
0x23: {  	_ = 	snop  }
0x24: {  	[hbm4b:s7+s2] =	stream.linear.scatter [tilespmem:s15], [sflag:$0x2], $0x4000, $0x38;
	[tilespmem:$0x11900] =	vst v63  }
0x25: {  	_ =	swait.ge [sflag:s16], $0x4000  }
0x26: {  	[sflag:s16] =	ssyncset.done $0x0  }
0x27: {  	[sflag:s16] =	ssyncadd.s32 $0xFFFFC000  }
0x28: {  	_ =	swait.ge [sflag:s16], $0x4000  }
0x29: {  	[sflag:s16] =	ssyncset.done $0x0  }
0x2a: {  	[sflag:s16] =	ssyncadd.s32 $0xFFFFC000  }
0x2b: {  	_ =	swait.ge [sflag:s21], $0x4000  }
0x2c: {  	[sflag:s21] =	ssyncset.done $0x0  }
0x2d: {  	[sflag:s21] =	ssyncadd.s32 $0xFFFFC000  }
0x2e: {  	s23 =	simm.s32 $0x10000;
	_ =	swait.ge [sflag:s21], $0x4000  }
0x2f: {  	s30 =	simm.s32 $0x8000;
	s24 =	sand.u32 $0x8000, s23;
	[sflag:s21] =	ssyncset.done $0x0  }
0x30: {  	s23 =	simm.s32 $0x200;
	s25 =	sor.u32 $0x1900, s24;
	[sflag:s21] =	ssyncadd.s32 $0xFFFFC000  }
0x31: {  	[tilespmem:s25], [sflag:$0x1] =	stream.indirect.gather [hbm4b:s3+s11], $0x80, s23, s11, $0xb8;
	[tilespmem:$0x11900] =	vst v63  }
0x32: {  	s26 =	simm.s32 $0x280;
	s25 =	sand.u32 $0x8000, s30  }
0x33: {  	s28 =	sadd.s32 $0x800, s10;
	s24 =	sor.u32 $0x5900, s24;
	s31 =	sor.u32 $0x1900, s25  }
0x34: {  	[tilespmem:s24], [sflag:$0x1] =	stream.indirect.gather [hbm4b:s3+s11], $0x80, s26, s11, $0xb8;
	[tilespmem:$0x11900] =	vst v63  }
0x35: {  	s24 =	simm.s32 $0x18000;
	s26 =	sor.u32 $0x5900, s25;
	s25 =	smov.u32 s10  }
0x36: {  	[hbm4b:s10+s2] =	stream.linear.scatter [tilespmem:s31], [sflag:$0x2], $0x4000, $0x38;
	[tilespmem:$0x11900] =	vst v63  }
.LBB2_2:
0x37: {  	p0 =	sne.s32 s24, $0xC0000;
	s25 =	sadd.s32 $0x20000, s25;
	s23 =	sadd.s32 $0x100, s23  }
0x38: {  	[hbm4b:s28+s2] =	stream.linear.scatter [tilespmem:s26], [sflag:$0x2], $0x4000, $0x38;
	[tilespmem:$0x11900] =	vst v63  }
0x39: {  	s26 =	smov.u32 s24;
	s24 =	sadd.s32 $0x8000, s24;
	_ =	swait.ge [sflag:s16], $0x4000  }
0x3a: {  	[sflag:s16] =	ssyncset.done $0x0  }
0x3b: {  	[sflag:s16] =	ssyncadd.s32 $0xFFFFC000  }
0x3c: {  	_ =	swait.ge [sflag:s16], $0x4000  }
0x3d: {  	[sflag:s16] =	ssyncset.done $0x0  }
0x3e: {  	[sflag:s16] =	ssyncadd.s32 $0xFFFFC000  }
0x3f: {  	_ =	swait.ge [sflag:s21], $0x4000  }
0x40: {  	[sflag:s21] =	ssyncset.done $0x0  }
0x41: {  	[sflag:s21] =	ssyncadd.s32 $0xFFFFC000  }
0x42: {  	_ =	swait.ge [sflag:s21], $0x4000  }
0x43: {  	s28 =	sand.u32 $0x8000, s26;
	[sflag:s21] =	ssyncset.done $0x0  }
0x44: {  	s26 =	sadd.s32 $0xFFFF8000, s26;
	s29 =	sor.u32 $0x1900, s28;
	[sflag:s21] =	ssyncadd.s32 $0xFFFFC000  }
0x45: {  	[tilespmem:s29], [sflag:$0x1] =	stream.indirect.gather [hbm4b:s3+s11], $0x80, s23, s11, $0xb8;
	[tilespmem:$0x11900] =	vst v63  }
.Ltmp0:
0x46: {  	s28 =	sor.u32 $0x5900, s28;
	s29 =	sadd.s32 $0x80, s23;
	(pc) =	sbr.rel @p0 .LBB2_2-.Ltmp0, $4  }
0x47: {  	[tilespmem:s28], [sflag:$0x1] =	stream.indirect.gather [hbm4b:s3+s11], $0x80, s29, s11, $0xb8;
	[tilespmem:$0x11900] =	vst v63  }
0x48: {  	s26 =	sand.u32 $0x8000, s26  }
0x49: {  	s29 =	sor.u32 $0x1900, s26;
	s26 =	sor.u32 $0x5900, s26;
	s28 =	sadd.s32 $0x800, s25  }
0x4a: {  	[hbm4b:s25+s2] =	stream.linear.scatter [tilespmem:s29], [sflag:$0x2], $0x4000, $0x38;
	[tilespmem:$0x11900] =	vst v63  }
0x4b: {  	[hbm4b:s28+s2] =	stream.linear.scatter [tilespmem:s26], [sflag:$0x2], $0x4000, $0x38;
	[tilespmem:$0x11900] =	vst v63  }
0x4c: {  	_ =	swait.ge [sflag:s16], $0x4000  }
0x4d: {  	[sflag:s16] =	ssyncset.done $0x0  }
0x4e: {  	[sflag:s16] =	ssyncadd.s32 $0xFFFFC000  }
0x4f: {  	_ =	swait.ge [sflag:s16], $0x4000  }
0x50: {  	[sflag:s16] =	ssyncset.done $0x0  }
0x51: {  	[sflag:s16] =	ssyncadd.s32 $0xFFFFC000  }
0x52: {  	_ =	swait.ge [sflag:s21], $0x4000  }
0x53: {  	[sflag:s21] =	ssyncset.done $0x0  }
0x54: {  	[sflag:s21] =	ssyncadd.s32 $0xFFFFC000  }
0x55: {  	_ =	swait.ge [sflag:s21], $0x4000  }
0x56: {  	[sflag:s21] =	ssyncset.done $0x0  }
0x57: {  	[sflag:s21] =	ssyncadd.s32 $0xFFFFC000  }
0x58: {  	[hbm4b:s8+s2] =	stream.linear.scatter [tilespmem:s14], [sflag:$0x2], $0x4000, $0x38;
	[tilespmem:$0x11900] =	vst v63  }
0x59: {  	s22 =	sadd.s32 $0x1, s22  }
0x5a: {  	[hbm4b:s9+s2] =	stream.linear.scatter [tilespmem:s15], [sflag:$0x2], $0x4000, $0x38;
	[tilespmem:$0x11900] =	vst v63  }
0x5b: {  	p0 =	sne.s32 s22, s5;
	_ =	swait.ge [sflag:s21], $0x4000  }
.Ltmp1:
0x5c: {  	[sflag:s21] =	ssyncset.done $0x0;
	(pc) =	sbr.rel @p0 .LBB2_1-.Ltmp1, $4  }
0x5d: {  	[sflag:s21] =	ssyncadd.s32 $0xFFFFC000  }
0x5e: {  	_ =	swait.ge [sflag:s21], $0x4000  }
0x5f: {  	[sflag:s21] =	ssyncset.done $0x0  }
0x60: {  	[sflag:s21] =	ssyncadd.s32 $0xFFFFC000  }
0x61: {  	_ =	sfence.sel $0x180000  }
0x62: {  	[bflag:$0x0] =	sbarrier.arrive $0xFFFF  }
0x63: {  	p0 =	sne.s32 s1, $0x0;
	_ =	strace $0x90000047  }
0x64: {  	s0 =	sadd.s32 @!p0 $0x100000, s0;
	[bflag:$0x2] =	sbarrier.arrive $0xFFFF  }
0x65: {  	[sflag:s0] =	ssyncadd.tile.s32 @!p0 $0x1;
	_ =	shalt  }
.Lfunc_end2:
_tile_overlayer_lowered:
.L_overlay_start_2:
0x66: {  	(tag) =	ssettag $0x2  }
0x67: {  	s0 =	rddreg [dreg:$0x0];
	s2 =	stileid.u32  }
0x68: {  	s1 =	rddreg [dreg:$0x1];
	p0 =	sne.s32 s2, $0x0  }
0x69: {  	s3 =	rddreg [dreg:$0x2];
	[bflag:$0x3] =	sbarrier.arrive $0xFFFF;
	s2 =	simm.s32 @!p0 $0x1C03  }
0x6a: {  	[timem:s3], [sflag:s2] =	dma.local @!p0 [hbm:s0], s1  }
0x6b: {  	s0 =	simm.s32 @!p0 $0x3  }
0x6c: {  	_ =	swait.ge @!p0 [sflag:s0], s1  }
0x6d: {  	s1 =	ssub.s32 @!p0 $0x0, s1;
	[sflag:s0] =	ssyncset.done @!p0 $0x0  }
0x6e: {  	[sflag:s0] =	ssyncadd.s32 @!p0 s1  }
0x6f: {  	[bflag:$0x3] =	sbarrier.arrive $0xFFFF  }
0x70: {  	_ =	shalt  }

</sc_bundles>
